<compile_context>
chip_gen: v7x
topology: tpu7x:2x2x1
jax: 0.10.2.dev20260603
libtpu: 0.0.44.dev20260713+nightly
codegen_flags: <defaults>
</compile_context>

<pallas_src>
import functools

import jax
import jax.numpy as jnp
from jax import lax
from jax.experimental import pallas as pl
from jax.experimental.pallas import tpu as pltpu
from jax.experimental.pallas import tpu_sc as plsc

N_TOK = 9216
D = 768
P = 1024
BLK = 1024
NBLK = N_TOK // BLK
INV_TEMP = 20.0
EPS = 1e-12



def _mega_body(x_ref, protos_ref, idx_ref, mn_s, e_s, ta_s, tb_s):
    j = pl.program_id(0)
    i = pl.program_id(1)

    @pl.when(j == 0)
    def _():
        @pl.when(i == 0)
        def _():
            w = protos_ref[...]
            sq = jnp.sum(w * w, axis=1, keepdims=True)
            mn_s[...] = w * lax.rsqrt(jnp.maximum(sq, EPS))
            ta_s[...] = jnp.zeros_like(ta_s)

        x = x_ref[...]
        sq = jnp.sum(x * x, axis=1, keepdims=True)
        xn = x * lax.rsqrt(jnp.maximum(sq, EPS))
        mm = lax.dot_general(xn, mn_s[...], (((1,), (1,)), ((), ())),
                             preferred_element_type=jnp.float32)
        e = jnp.exp(mm * INV_TEMP)
        e_s[pl.ds(i * BLK, BLK), :] = e
        r = 1.0 / (jnp.float32(N_TOK) * jnp.sum(e, axis=1, keepdims=True))
        ta_s[...] += jnp.sum(e * r, axis=0, keepdims=True)

    @pl.when(j == 1)
    def _():
        @pl.when(i == 0)
        def _():
            tb_s[...] = jnp.zeros_like(tb_s)

        e = e_s[pl.ds(i * BLK, BLK), :]
        c = 1.0 / (jnp.float32(P) * ta_s[...])
        r = 1.0 / (jnp.float32(N_TOK) * jnp.sum(e * c, axis=1, keepdims=True))
        tb_s[...] += jnp.sum(e * r, axis=0, keepdims=True)

    @pl.when(j == 2)
    def _():
        @pl.when(i == 0)
        def _():
            ta_s[...] = jnp.zeros_like(ta_s)

        e = e_s[pl.ds(i * BLK, BLK), :]
        c = 1.0 / (jnp.float32(P) * tb_s[...])
        r = 1.0 / (jnp.float32(N_TOK) * jnp.sum(e * c, axis=1, keepdims=True))
        ta_s[...] += jnp.sum(e * r, axis=0, keepdims=True)

    @pl.when(j == 3)
    def _():
        e = e_s[pl.ds(i * BLK, BLK), :]
        c3 = 1.0 / (jnp.float32(P) * ta_s[...])
        am = jnp.argmax(e * c3, axis=1).astype(jnp.int32)[:, None]
        idx_ref[pl.ds(i * BLK, BLK), :] = am


def _k5_body(x_ref, g_ref, wa_ref, wb_ref, ba_ref, bb_ref, out_ref):
    comb = (0.5 * x_ref[...] + 0.5 * g_ref[...]).astype(jnp.bfloat16)
    lin_a = lax.dot_general(comb, wa_ref[...], (((1,), (0,)), ((), ())),
                            preferred_element_type=jnp.float32) + ba_ref[...]
    lin_b = lax.dot_general(comb, wb_ref[...], (((1,), (0,)), ((), ())),
                            preferred_element_type=jnp.float32) + bb_ref[...]
    out_ref[...] = lin_a * (1.0 / (1.0 + jnp.exp(-lin_b)))



_GB = 48


def _sc_gather(table, idx):
    info = plsc.get_sparse_core_info()
    nw = info.num_cores * info.num_subcores
    b_per_w = N_TOK // nw
    nchunk = b_per_w // _GB
    mesh = plsc.VectorSubcoreMesh(core_axis_name="c", subcore_axis_name="s")

    @functools.partial(
        pl.kernel, mesh=mesh,
        out_type=jax.ShapeDtypeStruct((N_TOK, D), jnp.float32),
        scratch_types=[
            pltpu.VMEM((b_per_w,), jnp.int32),
            pltpu.VMEM((_GB, D), jnp.float32),
            pltpu.VMEM((_GB, D), jnp.float32),
            pltpu.SemaphoreType.DMA,
            pltpu.SemaphoreType.DMA,
        ],
    )
    def gather_k(table_hbm, idx_hbm, out_hbm, idx_v, rows0, rows1, sem0, sem1):
        wid = lax.axis_index("s") * info.num_cores + lax.axis_index("c")
        base = wid * b_per_w
        pltpu.sync_copy(idx_hbm.at[pl.ds(base, b_per_w)], idx_v)
        rows = [rows0, rows1]
        sems = [sem0, sem1]
        cps = [None, None]
        cps[0] = pltpu.async_copy(
            table_hbm.at[idx_v.at[pl.ds(0, _GB)]], rows0, sem0)
        for k in range(nchunk):
            if k + 1 < nchunk:
                cps[(k + 1) % 2] = pltpu.async_copy(
                    table_hbm.at[idx_v.at[pl.ds((k + 1) * _GB, _GB)]],
                    rows[(k + 1) % 2], sems[(k + 1) % 2])
            cps[k % 2].wait()
            pltpu.sync_copy(rows[k % 2], out_hbm.at[pl.ds(base + k * _GB, _GB)])

    return gather_k(table, idx)



def kernel(projections, localPrototypes, glu_W, glu_b):
    shp = projections.shape
    flat = projections.reshape(N_TOK, D)

    idx = pl.pallas_call(
        _mega_body,
        grid=(4, NBLK),
        in_specs=[
            pl.BlockSpec((BLK, D), lambda j, i: (jax.lax.select(j == 0, i, 0), 0)),
            pl.BlockSpec((P, D), lambda j, i: (0, 0)),
        ],
        out_specs=pl.BlockSpec((N_TOK, 1), lambda j, i: (0, 0)),
        out_shape=jax.ShapeDtypeStruct((N_TOK, 1), jnp.int32),
        scratch_shapes=[
            pltpu.VMEM((P, D), jnp.float32),
            pltpu.VMEM((N_TOK, P), jnp.float32),
            pltpu.VMEM((1, P), jnp.float32),
            pltpu.VMEM((1, P), jnp.float32),
        ],
        compiler_params=pltpu.CompilerParams(
            vmem_limit_bytes=100 * 1024 * 1024,
        ),
    )(flat, localPrototypes)

    gathered = _sc_gather(localPrototypes, idx.reshape(N_TOK))

    wa = glu_W[:, :D].astype(jnp.bfloat16)
    wb = glu_W[:, D:].astype(jnp.bfloat16)
    ba = glu_b[:D].reshape(1, D)
    bb = glu_b[D:].reshape(1, D)

    out = pl.pallas_call(
        _k5_body,
        grid=(NBLK,),
        in_specs=[
            pl.BlockSpec((BLK, D), lambda i: (i, 0)),
            pl.BlockSpec((BLK, D), lambda i: (i, 0)),
            pl.BlockSpec((D, D), lambda i: (0, 0)),
            pl.BlockSpec((D, D), lambda i: (0, 0)),
            pl.BlockSpec((1, D), lambda i: (0, 0)),
            pl.BlockSpec((1, D), lambda i: (0, 0)),
        ],
        out_specs=pl.BlockSpec((BLK, D), lambda i: (i, 0)),
        out_shape=jax.ShapeDtypeStruct((N_TOK, D), jnp.float32),
    )(flat, gathered, wa, wb, ba, bb)

    return out.reshape(shp)

# --- scband reference (transcript-rebuilt; emitter-appended) ---
"""Pipeline reference for scband-alignment-with-protoype-54546084659724 (READ-ONLY COPY).

The authoritative reference and input builder live on the scoring server;
editing this copy changes nothing except your own understanding.
"""

import jax, jax.numpy as jnp
import numpy as np

INFLUENCE_FACTOR = 0.5
MEMORY_BANK_SIZE = 1024
PROJECTION_DIM = 768


def l2_normalize(x, axis=1, eps=1e-12):
    sq = jnp.sum(x * x, axis=axis, keepdims=True)
    return x * jax.lax.rsqrt(jnp.maximum(sq, eps))


def sinkhorn_matrix(out):
    # Q = exp(out / 0.05); doubly-stochastic normalization, 3 iterations
    Q = jnp.exp(out / 0.05)
    K = jnp.float32(Q.shape[0])  # rows (tokens)
    B = jnp.float32(Q.shape[1])  # cols (prototypes)
    Q = Q / jnp.sum(Q)
    for _ in range(3):
        Q = Q / jnp.sum(Q, axis=1, keepdims=True)
        Q = Q / K
        Q = Q / jnp.sum(Q, axis=0, keepdims=True)
        Q = Q / B
    Q = Q * B
    return Q


def setup_inputs(seed: int = 0) -> dict:
    key = jax.random.key(seed)
    k1, k2, k3, k4 = jax.random.split(key, 4)
    projections = jax.random.normal(k1, (16, 576, PROJECTION_DIM), dtype=jnp.float32)
    localPrototypes = jax.random.normal(k2, (MEMORY_BANK_SIZE, PROJECTION_DIM), dtype=jnp.float32)
    # GLU: Dense(units*2) on projection_dim inputs
    fan_in = PROJECTION_DIM
    limit = np.sqrt(6.0 / (fan_in + 2 * PROJECTION_DIM))
    glu_W = jax.random.uniform(k3, (PROJECTION_DIM, 2 * PROJECTION_DIM), dtype=jnp.float32, minval=-limit, maxval=limit)
    glu_b = jnp.zeros((2 * PROJECTION_DIM,), dtype=jnp.float32)
    return {"projections": projections, "localPrototypes": localPrototypes, "glu_W": glu_W, "glu_b": glu_b}


def reference(projections, localPrototypes, glu_W, glu_b):
    # Inference path (training=False): only local prototypes used, OT matching.
    shp = projections.shape
    flat = projections.reshape(-1, shp[-1])
    # optimal_transport_matching
    proj_n = l2_normalize(flat, axis=1)
    mem_n = l2_normalize(localPrototypes, axis=1)
    mm = jnp.matmul(proj_n, mem_n.T)
    match_matrix = sinkhorn_matrix(mm)
    localAssignments = jnp.argmax(match_matrix, axis=1)
    memoryAssignments = jnp.take(localPrototypes, localAssignments, axis=0)
    # combine aligned prototypes with projections, then GLU (reconstructed call tail)
    combined = INFLUENCE_FACTOR * flat + (1.0 - INFLUENCE_FACTOR) * memoryAssignments
    units = PROJECTION_DIM
    lin = jnp.matmul(combined, glu_W) + glu_b
    out = lin[:, :units] * jax.nn.sigmoid(lin[:, units:])
    return out.reshape(shp)

if __name__ == "__main__":
    import jax
    _d = setup_inputs()
    print(jax.jit(kernel)(*tuple(_d.values())))

</pallas_src>

<mosaic_0001>
#map = affine_map<(d0, d1) -> (0, 0)>
#map1 = affine_map<(d0, d1) -> (0)>
module attributes {stable_mosaic.version = 14 : i64} {
  func.func @gather_k(%arg0: i32, %arg1: i32, %arg2: memref<1024x768xf32, #tpu.memory_space<hbm>>, %arg3: memref<9216xi32, #tpu.memory_space<hbm>>, %arg4: memref<9216x768xf32, #tpu.memory_space<hbm>>, %arg5: memref<288xi32, #tpu.memory_space<vmem>>, %arg6: memref<48x768xf32, #tpu.memory_space<vmem>>, %arg7: memref<48x768xf32, #tpu.memory_space<vmem>>, %arg8: memref<!tpu.dma_semaphore, #tpu.memory_space<semaphore_mem>>, %arg9: memref<!tpu.dma_semaphore, #tpu.memory_space<semaphore_mem>>) attributes {dimension_semantics = [#tpu.dimension_semantics<core_parallel>, #tpu.dimension_semantics<subcore_parallel>], iteration_bounds = array<i64: 2, 16>, scalar_prefetch = 0 : i64, scratch_operands = 5 : i64, tpu.core_type = #tpu.core_type<sc_vector_subcore>, window_params = [{transform_indices = #map}, {transform_indices = #map1}, {transform_indices = #map}]} {
    %mul3A = arith.constant 2 : i32
    %mul3A_0 = arith.muli %arg1, %mul3A : i32
    %add3A = arith.addi %mul3A_0, %arg0 : i32
    %mul3A_1 = arith.constant 288 : i32
    %mul3A_2 = arith.muli %add3A, %mul3A_1 : i32
    "tpu.region"() ({
      %run_scoped3A = tpu.sem_alloc : memref<!tpu.dma_semaphore, #tpu.memory_space<semaphore_mem>>
      %dma_start3A_73 = tpu.memref_slice %arg3[%mul3A_2] : memref<9216xi32, #tpu.memory_space<hbm>> -> memref<288xi32, #tpu.memory_space<hbm>>
      %dma_start3A_74 = tpu.memref_slice %arg3[%mul3A_2] : memref<9216xi32, #tpu.memory_space<hbm>> -> memref<288xi32, #tpu.memory_space<hbm>>
      tpu.enqueue_dma source(%dma_start3A_74 : memref<288xi32, #tpu.memory_space<hbm>>) target(%arg5 : memref<288xi32, #tpu.memory_space<vmem>>) target_semaphore(%run_scoped3A : memref<!tpu.dma_semaphore, #tpu.memory_space<semaphore_mem>>)
      %dma_wait3A_75 = tpu.memref_slice %arg3[%mul3A_2] : memref<9216xi32, #tpu.memory_space<hbm>> -> memref<288xi32, #tpu.memory_space<hbm>>
      %dma_wait3A_76 = tpu.memref_slice %arg3[%mul3A_2] : memref<9216xi32, #tpu.memory_space<hbm>> -> memref<288xi32, #tpu.memory_space<hbm>>
      tpu.wait_dma2 semaphore(%run_scoped3A : memref<!tpu.dma_semaphore, #tpu.memory_space<semaphore_mem>>) src(%dma_wait3A_76 : memref<288xi32, #tpu.memory_space<hbm>>) dst(%arg5 : memref<288xi32, #tpu.memory_space<vmem>>)
      tpu.yield
    }) : () -> ()
    %dma_start3A = arith.constant 0 : i32
    %dma_start3A_3 = tpu.memref_slice %arg5[%dma_start3A] : memref<288xi32, #tpu.memory_space<vmem>> -> memref<48xi32, #tpu.memory_space<vmem>>
    %dma_start3A_4 = arith.constant 0 : i32
    %dma_start3A_5 = arith.constant 0 : i32
    %dma_start3A_6 = tpu.memref_slice %arg2[%dma_start3A_4, %dma_start3A_5] : memref<1024x768xf32, #tpu.memory_space<hbm>> -> memref<1024x768xf32, #tpu.memory_space<hbm>>
    tpu.enqueue_indirect_dma source(%dma_start3A_6 : memref<1024x768xf32, #tpu.memory_space<hbm>>) target(%arg6 : memref<48x768xf32, #tpu.memory_space<vmem>>) offsets(%dma_start3A_3 : memref<48xi32, #tpu.memory_space<vmem>>) semaphore(%arg8 : memref<!tpu.dma_semaphore, #tpu.memory_space<semaphore_mem>>)
    %dma_start3A_7 = arith.constant 48 : i32
    %dma_start3A_8 = tpu.memref_slice %arg5[%dma_start3A_7] : memref<288xi32, #tpu.memory_space<vmem>> -> memref<48xi32, #tpu.memory_space<vmem>>
    %dma_start3A_9 = arith.constant 0 : i32
    %dma_start3A_10 = arith.constant 0 : i32
    %dma_start3A_11 = tpu.memref_slice %arg2[%dma_start3A_9, %dma_start3A_10] : memref<1024x768xf32, #tpu.memory_space<hbm>> -> memref<1024x768xf32, #tpu.memory_space<hbm>>
    tpu.enqueue_indirect_dma source(%dma_start3A_11 : memref<1024x768xf32, #tpu.memory_space<hbm>>) target(%arg7 : memref<48x768xf32, #tpu.memory_space<vmem>>) offsets(%dma_start3A_8 : memref<48xi32, #tpu.memory_space<vmem>>) semaphore(%arg9 : memref<!tpu.dma_semaphore, #tpu.memory_space<semaphore_mem>>)
    %dma_wait3A = arith.constant 0 : i32
    %dma_wait3A_12 = tpu.memref_slice %arg5[%dma_wait3A] : memref<288xi32, #tpu.memory_space<vmem>> -> memref<48xi32, #tpu.memory_space<vmem>>
    %dma_wait3A_13 = arith.constant 0 : i32
    %dma_wait3A_14 = arith.constant 0 : i32
    %dma_wait3A_15 = tpu.memref_slice %arg2[%dma_wait3A_13, %dma_wait3A_14] : memref<1024x768xf32, #tpu.memory_space<hbm>> -> memref<1024x768xf32, #tpu.memory_space<hbm>>
    tpu.wait_indirect_dma semaphore(%arg8 : memref<!tpu.dma_semaphore, #tpu.memory_space<semaphore_mem>>) src(%dma_wait3A_15 : memref<1024x768xf32, #tpu.memory_space<hbm>>) dst(%arg6 : memref<48x768xf32, #tpu.memory_space<vmem>>)
    %add3A_16 = arith.constant 0 : i32
    %add3A_17 = arith.addi %mul3A_2, %add3A_16 : i32
    "tpu.region"() ({
      %run_scoped3A = tpu.sem_alloc : memref<!tpu.dma_semaphore, #tpu.memory_space<semaphore_mem>>
      %dma_start3A_73 = arith.constant 0 : i32
      %dma_start3A_74 = tpu.memref_slice %arg4[%add3A_17, %dma_start3A_73] : memref<9216x768xf32, #tpu.memory_space<hbm>> -> memref<48x768xf32, #tpu.memory_space<hbm>>
      %dma_start3A_75 = arith.constant 0 : i32
      %dma_start3A_76 = tpu.memref_slice %arg4[%add3A_17, %dma_start3A_75] : memref<9216x768xf32, #tpu.memory_space<hbm>> -> memref<48x768xf32, #tpu.memory_space<hbm>>
      tpu.enqueue_dma source(%arg6 : memref<48x768xf32, #tpu.memory_space<vmem>>) target(%dma_start3A_76 : memref<48x768xf32, #tpu.memory_space<hbm>>) target_semaphore(%run_scoped3A : memref<!tpu.dma_semaphore, #tpu.memory_space<semaphore_mem>>)
      %dma_wait3A_77 = arith.constant 0 : i32
      %dma_wait3A_78 = tpu.memref_slice %arg4[%add3A_17, %dma_wait3A_77] : memref<9216x768xf32, #tpu.memory_space<hbm>> -> memref<48x768xf32, #tpu.memory_space<hbm>>
      %dma_wait3A_79 = arith.constant 0 : i32
      %dma_wait3A_80 = tpu.memref_slice %arg4[%add3A_17, %dma_wait3A_79] : memref<9216x768xf32, #tpu.memory_space<hbm>> -> memref<48x768xf32, #tpu.memory_space<hbm>>
      tpu.wait_dma2 semaphore(%run_scoped3A : memref<!tpu.dma_semaphore, #tpu.memory_space<semaphore_mem>>) src(%arg6 : memref<48x768xf32, #tpu.memory_space<vmem>>) dst(%dma_wait3A_80 : memref<48x768xf32, #tpu.memory_space<hbm>>)
      tpu.yield
    }) : () -> ()
    %dma_start3A_18 = arith.constant 96 : i32
    %dma_start3A_19 = tpu.memref_slice %arg5[%dma_start3A_18] : memref<288xi32, #tpu.memory_space<vmem>> -> memref<48xi32, #tpu.memory_space<vmem>>
    %dma_start3A_20 = arith.constant 0 : i32
    %dma_start3A_21 = arith.constant 0 : i32
    %dma_start3A_22 = tpu.memref_slice %arg2[%dma_start3A_20, %dma_start3A_21] : memref<1024x768xf32, #tpu.memory_space<hbm>> -> memref<1024x768xf32, #tpu.memory_space<hbm>>
    tpu.enqueue_indirect_dma source(%dma_start3A_22 : memref<1024x768xf32, #tpu.memory_space<hbm>>) target(%arg6 : memref<48x768xf32, #tpu.memory_space<vmem>>) offsets(%dma_start3A_19 : memref<48xi32, #tpu.memory_space<vmem>>) semaphore(%arg8 : memref<!tpu.dma_semaphore, #tpu.memory_space<semaphore_mem>>)
    %dma_wait3A_23 = arith.constant 48 : i32
    %dma_wait3A_24 = tpu.memref_slice %arg5[%dma_wait3A_23] : memref<288xi32, #tpu.memory_space<vmem>> -> memref<48xi32, #tpu.memory_space<vmem>>
    %dma_wait3A_25 = arith.constant 0 : i32
    %dma_wait3A_26 = arith.constant 0 : i32
    %dma_wait3A_27 = tpu.memref_slice %arg2[%dma_wait3A_25, %dma_wait3A_26] : memref<1024x768xf32, #tpu.memory_space<hbm>> -> memref<1024x768xf32, #tpu.memory_space<hbm>>
    tpu.wait_indirect_dma semaphore(%arg9 : memref<!tpu.dma_semaphore, #tpu.memory_space<semaphore_mem>>) src(%dma_wait3A_27 : memref<1024x768xf32, #tpu.memory_space<hbm>>) dst(%arg7 : memref<48x768xf32, #tpu.memory_space<vmem>>)
    %add3A_28 = arith.constant 48 : i32
    %add3A_29 = arith.addi %mul3A_2, %add3A_28 : i32
    "tpu.region"() ({
      %run_scoped3A = tpu.sem_alloc : memref<!tpu.dma_semaphore, #tpu.memory_space<semaphore_mem>>
      %dma_start3A_73 = arith.constant 0 : i32
      %dma_start3A_74 = tpu.memref_slice %arg4[%add3A_29, %dma_start3A_73] : memref<9216x768xf32, #tpu.memory_space<hbm>> -> memref<48x768xf32, #tpu.memory_space<hbm>>
      %dma_start3A_75 = arith.constant 0 : i32
      %dma_start3A_76 = tpu.memref_slice %arg4[%add3A_29, %dma_start3A_75] : memref<9216x768xf32, #tpu.memory_space<hbm>> -> memref<48x768xf32, #tpu.memory_space<hbm>>
      tpu.enqueue_dma source(%arg7 : memref<48x768xf32, #tpu.memory_space<vmem>>) target(%dma_start3A_76 : memref<48x768xf32, #tpu.memory_space<hbm>>) target_semaphore(%run_scoped3A : memref<!tpu.dma_semaphore, #tpu.memory_space<semaphore_mem>>)
      %dma_wait3A_77 = arith.constant 0 : i32
      %dma_wait3A_78 = tpu.memref_slice %arg4[%add3A_29, %dma_wait3A_77] : memref<9216x768xf32, #tpu.memory_space<hbm>> -> memref<48x768xf32, #tpu.memory_space<hbm>>
      %dma_wait3A_79 = arith.constant 0 : i32
      %dma_wait3A_80 = tpu.memref_slice %arg4[%add3A_29, %dma_wait3A_79] : memref<9216x768xf32, #tpu.memory_space<hbm>> -> memref<48x768xf32, #tpu.memory_space<hbm>>
      tpu.wait_dma2 semaphore(%run_scoped3A : memref<!tpu.dma_semaphore, #tpu.memory_space<semaphore_mem>>) src(%arg7 : memref<48x768xf32, #tpu.memory_space<vmem>>) dst(%dma_wait3A_80 : memref<48x768xf32, #tpu.memory_space<hbm>>)
      tpu.yield
    }) : () -> ()
    %dma_start3A_30 = arith.constant 144 : i32
    %dma_start3A_31 = tpu.memref_slice %arg5[%dma_start3A_30] : memref<288xi32, #tpu.memory_space<vmem>> -> memref<48xi32, #tpu.memory_space<vmem>>
    %dma_start3A_32 = arith.constant 0 : i32
    %dma_start3A_33 = arith.constant 0 : i32
    %dma_start3A_34 = tpu.memref_slice %arg2[%dma_start3A_32, %dma_start3A_33] : memref<1024x768xf32, #tpu.memory_space<hbm>> -> memref<1024x768xf32, #tpu.memory_space<hbm>>
    tpu.enqueue_indirect_dma source(%dma_start3A_34 : memref<1024x768xf32, #tpu.memory_space<hbm>>) target(%arg7 : memref<48x768xf32, #tpu.memory_space<vmem>>) offsets(%dma_start3A_31 : memref<48xi32, #tpu.memory_space<vmem>>) semaphore(%arg9 : memref<!tpu.dma_semaphore, #tpu.memory_space<semaphore_mem>>)
    %dma_wait3A_35 = arith.constant 96 : i32
    %dma_wait3A_36 = tpu.memref_slice %arg5[%dma_wait3A_35] : memref<288xi32, #tpu.memory_space<vmem>> -> memref<48xi32, #tpu.memory_space<vmem>>
    %dma_wait3A_37 = arith.constant 0 : i32
    %dma_wait3A_38 = arith.constant 0 : i32
    %dma_wait3A_39 = tpu.memref_slice %arg2[%dma_wait3A_37, %dma_wait3A_38] : memref<1024x768xf32, #tpu.memory_space<hbm>> -> memref<1024x768xf32, #tpu.memory_space<hbm>>
    tpu.wait_indirect_dma semaphore(%arg8 : memref<!tpu.dma_semaphore, #tpu.memory_space<semaphore_mem>>) src(%dma_wait3A_39 : memref<1024x768xf32, #tpu.memory_space<hbm>>) dst(%arg6 : memref<48x768xf32, #tpu.memory_space<vmem>>)
    %add3A_40 = arith.constant 96 : i32
    %add3A_41 = arith.addi %mul3A_2, %add3A_40 : i32
    "tpu.region"() ({
      %run_scoped3A = tpu.sem_alloc : memref<!tpu.dma_semaphore, #tpu.memory_space<semaphore_mem>>
      %dma_start3A_73 = arith.constant 0 : i32
      %dma_start3A_74 = tpu.memref_slice %arg4[%add3A_41, %dma_start3A_73] : memref<9216x768xf32, #tpu.memory_space<hbm>> -> memref<48x768xf32, #tpu.memory_space<hbm>>
      %dma_start3A_75 = arith.constant 0 : i32
      %dma_start3A_76 = tpu.memref_slice %arg4[%add3A_41, %dma_start3A_75] : memref<9216x768xf32, #tpu.memory_space<hbm>> -> memref<48x768xf32, #tpu.memory_space<hbm>>
      tpu.enqueue_dma source(%arg6 : memref<48x768xf32, #tpu.memory_space<vmem>>) target(%dma_start3A_76 : memref<48x768xf32, #tpu.memory_space<hbm>>) target_semaphore(%run_scoped3A : memref<!tpu.dma_semaphore, #tpu.memory_space<semaphore_mem>>)
      %dma_wait3A_77 = arith.constant 0 : i32
      %dma_wait3A_78 = tpu.memref_slice %arg4[%add3A_41, %dma_wait3A_77] : memref<9216x768xf32, #tpu.memory_space<hbm>> -> memref<48x768xf32, #tpu.memory_space<hbm>>
      %dma_wait3A_79 = arith.constant 0 : i32
      %dma_wait3A_80 = tpu.memref_slice %arg4[%add3A_41, %dma_wait3A_79] : memref<9216x768xf32, #tpu.memory_space<hbm>> -> memref<48x768xf32, #tpu.memory_space<hbm>>
      tpu.wait_dma2 semaphore(%run_scoped3A : memref<!tpu.dma_semaphore, #tpu.memory_space<semaphore_mem>>) src(%arg6 : memref<48x768xf32, #tpu.memory_space<vmem>>) dst(%dma_wait3A_80 : memref<48x768xf32, #tpu.memory_space<hbm>>)
      tpu.yield
    }) : () -> ()
    %dma_start3A_42 = arith.constant 192 : i32
    %dma_start3A_43 = tpu.memref_slice %arg5[%dma_start3A_42] : memref<288xi32, #tpu.memory_space<vmem>> -> memref<48xi32, #tpu.memory_space<vmem>>
    %dma_start3A_44 = arith.constant 0 : i32
    %dma_start3A_45 = arith.constant 0 : i32
    %dma_start3A_46 = tpu.memref_slice %arg2[%dma_start3A_44, %dma_start3A_45] : memref<1024x768xf32, #tpu.memory_space<hbm>> -> memref<1024x768xf32, #tpu.memory_space<hbm>>
    tpu.enqueue_indirect_dma source(%dma_start3A_46 : memref<1024x768xf32, #tpu.memory_space<hbm>>) target(%arg6 : memref<48x768xf32, #tpu.memory_space<vmem>>) offsets(%dma_start3A_43 : memref<48xi32, #tpu.memory_space<vmem>>) semaphore(%arg8 : memref<!tpu.dma_semaphore, #tpu.memory_space<semaphore_mem>>)
    %dma_wait3A_47 = arith.constant 144 : i32
    %dma_wait3A_48 = tpu.memref_slice %arg5[%dma_wait3A_47] : memref<288xi32, #tpu.memory_space<vmem>> -> memref<48xi32, #tpu.memory_space<vmem>>
    %dma_wait3A_49 = arith.constant 0 : i32
    %dma_wait3A_50 = arith.constant 0 : i32
    %dma_wait3A_51 = tpu.memref_slice %arg2[%dma_wait3A_49, %dma_wait3A_50] : memref<1024x768xf32, #tpu.memory_space<hbm>> -> memref<1024x768xf32, #tpu.memory_space<hbm>>
    tpu.wait_indirect_dma semaphore(%arg9 : memref<!tpu.dma_semaphore, #tpu.memory_space<semaphore_mem>>) src(%dma_wait3A_51 : memref<1024x768xf32, #tpu.memory_space<hbm>>) dst(%arg7 : memref<48x768xf32, #tpu.memory_space<vmem>>)
    %add3A_52 = arith.constant 144 : i32
    %add3A_53 = arith.addi %mul3A_2, %add3A_52 : i32
    "tpu.region"() ({
      %run_scoped3A = tpu.sem_alloc : memref<!tpu.dma_semaphore, #tpu.memory_space<semaphore_mem>>
      %dma_start3A_73 = arith.constant 0 : i32
      %dma_start3A_74 = tpu.memref_slice %arg4[%add3A_53, %dma_start3A_73] : memref<9216x768xf32, #tpu.memory_space<hbm>> -> memref<48x768xf32, #tpu.memory_space<hbm>>
      %dma_start3A_75 = arith.constant 0 : i32
      %dma_start3A_76 = tpu.memref_slice %arg4[%add3A_53, %dma_start3A_75] : memref<9216x768xf32, #tpu.memory_space<hbm>> -> memref<48x768xf32, #tpu.memory_space<hbm>>
      tpu.enqueue_dma source(%arg7 : memref<48x768xf32, #tpu.memory_space<vmem>>) target(%dma_start3A_76 : memref<48x768xf32, #tpu.memory_space<hbm>>) target_semaphore(%run_scoped3A : memref<!tpu.dma_semaphore, #tpu.memory_space<semaphore_mem>>)
      %dma_wait3A_77 = arith.constant 0 : i32
      %dma_wait3A_78 = tpu.memref_slice %arg4[%add3A_53, %dma_wait3A_77] : memref<9216x768xf32, #tpu.memory_space<hbm>> -> memref<48x768xf32, #tpu.memory_space<hbm>>
      %dma_wait3A_79 = arith.constant 0 : i32
      %dma_wait3A_80 = tpu.memref_slice %arg4[%add3A_53, %dma_wait3A_79] : memref<9216x768xf32, #tpu.memory_space<hbm>> -> memref<48x768xf32, #tpu.memory_space<hbm>>
      tpu.wait_dma2 semaphore(%run_scoped3A : memref<!tpu.dma_semaphore, #tpu.memory_space<semaphore_mem>>) src(%arg7 : memref<48x768xf32, #tpu.memory_space<vmem>>) dst(%dma_wait3A_80 : memref<48x768xf32, #tpu.memory_space<hbm>>)
      tpu.yield
    }) : () -> ()
    %dma_start3A_54 = arith.constant 240 : i32
    %dma_start3A_55 = tpu.memref_slice %arg5[%dma_start3A_54] : memref<288xi32, #tpu.memory_space<vmem>> -> memref<48xi32, #tpu.memory_space<vmem>>
    %dma_start3A_56 = arith.constant 0 : i32
    %dma_start3A_57 = arith.constant 0 : i32
    %dma_start3A_58 = tpu.memref_slice %arg2[%dma_start3A_56, %dma_start3A_57] : memref<1024x768xf32, #tpu.memory_space<hbm>> -> memref<1024x768xf32, #tpu.memory_space<hbm>>
    tpu.enqueue_indirect_dma source(%dma_start3A_58 : memref<1024x768xf32, #tpu.memory_space<hbm>>) target(%arg7 : memref<48x768xf32, #tpu.memory_space<vmem>>) offsets(%dma_start3A_55 : memref<48xi32, #tpu.memory_space<vmem>>) semaphore(%arg9 : memref<!tpu.dma_semaphore, #tpu.memory_space<semaphore_mem>>)
    %dma_wait3A_59 = arith.constant 192 : i32
    %dma_wait3A_60 = tpu.memref_slice %arg5[%dma_wait3A_59] : memref<288xi32, #tpu.memory_space<vmem>> -> memref<48xi32, #tpu.memory_space<vmem>>
    %dma_wait3A_61 = arith.constant 0 : i32
    %dma_wait3A_62 = arith.constant 0 : i32
    %dma_wait3A_63 = tpu.memref_slice %arg2[%dma_wait3A_61, %dma_wait3A_62] : memref<1024x768xf32, #tpu.memory_space<hbm>> -> memref<1024x768xf32, #tpu.memory_space<hbm>>
    tpu.wait_indirect_dma semaphore(%arg8 : memref<!tpu.dma_semaphore, #tpu.memory_space<semaphore_mem>>) src(%dma_wait3A_63 : memref<1024x768xf32, #tpu.memory_space<hbm>>) dst(%arg6 : memref<48x768xf32, #tpu.memory_space<vmem>>)
    %add3A_64 = arith.constant 192 : i32
    %add3A_65 = arith.addi %mul3A_2, %add3A_64 : i32
    "tpu.region"() ({
      %run_scoped3A = tpu.sem_alloc : memref<!tpu.dma_semaphore, #tpu.memory_space<semaphore_mem>>
      %dma_start3A_73 = arith.constant 0 : i32
      %dma_start3A_74 = tpu.memref_slice %arg4[%add3A_65, %dma_start3A_73] : memref<9216x768xf32, #tpu.memory_space<hbm>> -> memref<48x768xf32, #tpu.memory_space<hbm>>
      %dma_start3A_75 = arith.constant 0 : i32
      %dma_start3A_76 = tpu.memref_slice %arg4[%add3A_65, %dma_start3A_75] : memref<9216x768xf32, #tpu.memory_space<hbm>> -> memref<48x768xf32, #tpu.memory_space<hbm>>
      tpu.enqueue_dma source(%arg6 : memref<48x768xf32, #tpu.memory_space<vmem>>) target(%dma_start3A_76 : memref<48x768xf32, #tpu.memory_space<hbm>>) target_semaphore(%run_scoped3A : memref<!tpu.dma_semaphore, #tpu.memory_space<semaphore_mem>>)
      %dma_wait3A_77 = arith.constant 0 : i32
      %dma_wait3A_78 = tpu.memref_slice %arg4[%add3A_65, %dma_wait3A_77] : memref<9216x768xf32, #tpu.memory_space<hbm>> -> memref<48x768xf32, #tpu.memory_space<hbm>>
      %dma_wait3A_79 = arith.constant 0 : i32
      %dma_wait3A_80 = tpu.memref_slice %arg4[%add3A_65, %dma_wait3A_79] : memref<9216x768xf32, #tpu.memory_space<hbm>> -> memref<48x768xf32, #tpu.memory_space<hbm>>
      tpu.wait_dma2 semaphore(%run_scoped3A : memref<!tpu.dma_semaphore, #tpu.memory_space<semaphore_mem>>) src(%arg6 : memref<48x768xf32, #tpu.memory_space<vmem>>) dst(%dma_wait3A_80 : memref<48x768xf32, #tpu.memory_space<hbm>>)
      tpu.yield
    }) : () -> ()
    %dma_wait3A_66 = arith.constant 240 : i32
    %dma_wait3A_67 = tpu.memref_slice %arg5[%dma_wait3A_66] : memref<288xi32, #tpu.memory_space<vmem>> -> memref<48xi32, #tpu.memory_space<vmem>>
    %dma_wait3A_68 = arith.constant 0 : i32
    %dma_wait3A_69 = arith.constant 0 : i32
    %dma_wait3A_70 = tpu.memref_slice %arg2[%dma_wait3A_68, %dma_wait3A_69] : memref<1024x768xf32, #tpu.memory_space<hbm>> -> memref<1024x768xf32, #tpu.memory_space<hbm>>
    tpu.wait_indirect_dma semaphore(%arg9 : memref<!tpu.dma_semaphore, #tpu.memory_space<semaphore_mem>>) src(%dma_wait3A_70 : memref<1024x768xf32, #tpu.memory_space<hbm>>) dst(%arg7 : memref<48x768xf32, #tpu.memory_space<vmem>>)
    %add3A_71 = arith.constant 240 : i32
    %add3A_72 = arith.addi %mul3A_2, %add3A_71 : i32
    "tpu.region"() ({
      %run_scoped3A = tpu.sem_alloc : memref<!tpu.dma_semaphore, #tpu.memory_space<semaphore_mem>>
      %dma_start3A_73 = arith.constant 0 : i32
      %dma_start3A_74 = tpu.memref_slice %arg4[%add3A_72, %dma_start3A_73] : memref<9216x768xf32, #tpu.memory_space<hbm>> -> memref<48x768xf32, #tpu.memory_space<hbm>>
      %dma_start3A_75 = arith.constant 0 : i32
      %dma_start3A_76 = tpu.memref_slice %arg4[%add3A_72, %dma_start3A_75] : memref<9216x768xf32, #tpu.memory_space<hbm>> -> memref<48x768xf32, #tpu.memory_space<hbm>>
      tpu.enqueue_dma source(%arg7 : memref<48x768xf32, #tpu.memory_space<vmem>>) target(%dma_start3A_76 : memref<48x768xf32, #tpu.memory_space<hbm>>) target_semaphore(%run_scoped3A : memref<!tpu.dma_semaphore, #tpu.memory_space<semaphore_mem>>)
      %dma_wait3A_77 = arith.constant 0 : i32
      %dma_wait3A_78 = tpu.memref_slice %arg4[%add3A_72, %dma_wait3A_77] : memref<9216x768xf32, #tpu.memory_space<hbm>> -> memref<48x768xf32, #tpu.memory_space<hbm>>
      %dma_wait3A_79 = arith.constant 0 : i32
      %dma_wait3A_80 = tpu.memref_slice %arg4[%add3A_72, %dma_wait3A_79] : memref<9216x768xf32, #tpu.memory_space<hbm>> -> memref<48x768xf32, #tpu.memory_space<hbm>>
      tpu.wait_dma2 semaphore(%run_scoped3A : memref<!tpu.dma_semaphore, #tpu.memory_space<semaphore_mem>>) src(%arg7 : memref<48x768xf32, #tpu.memory_space<vmem>>) dst(%dma_wait3A_80 : memref<48x768xf32, #tpu.memory_space<hbm>>)
      tpu.yield
    }) : () -> ()
    return
  }
}

module attributes {stable_mosaic.version = 14 : i64} {
  func.func @_mega_body(%arg0: i32, %arg1: i32, %arg2: memref<1024x768xf32, #tpu.memory_space<vmem>>, %arg3: memref<1024x768xf32, #tpu.memory_space<vmem>>, %arg4: memref<9216x1xi32, #tpu.memory_space<vmem>>, %arg5: memref<1024x768xf32, #tpu.memory_space<vmem>>, %arg6: memref<9216x1024xf32, #tpu.memory_space<vmem>>, %arg7: memref<1x1024xf32, #tpu.memory_space<vmem>>, %arg8: memref<1x1024xf32, #tpu.memory_space<vmem>>) attributes {dimension_semantics = [#tpu.dimension_semantics<arbitrary>, #tpu.dimension_semantics<arbitrary>], iteration_bounds = array<i64: 4, 9>, scalar_prefetch = 0 : i64, scratch_operands = 4 : i64, tpu.core_type = #tpu.core_type<tc>, window_params = [{transform_indices = @transform_0, window_bounds = array<i64: 1024, 768>}, {pipeline_mode = #tpu.pipeline_mode<synchronous>, transform_indices = @transform_1, window_bounds = array<i64: 1024, 768>}, {pipeline_mode = #tpu.pipeline_mode<synchronous>, transform_indices = @transform_2, window_bounds = array<i64: 9216, 1>}]} {
    %eq3A = arith.constant 0 : i32
    %eq3A_0 = arith.cmpi eq, %arg0, %eq3A : i32
    %convert_element_type3A = arith.extui %eq3A_0 : i1 to i32
    %cond3A = arith.constant 0 : i32
    %cond3A_1 = arith.cmpi ne, %convert_element_type3A, %cond3A : i32
    scf.if %cond3A_1 {
      %eq3A_17 = arith.constant 0 : i32
      %eq3A_18 = arith.cmpi eq, %arg1, %eq3A_17 : i32
      %convert_element_type3A_19 = arith.extui %eq3A_18 : i1 to i32
      %cond3A_20 = arith.constant 0 : i32
      %cond3A_21 = arith.cmpi ne, %convert_element_type3A_19, %cond3A_20 : i32
      scf.if %cond3A_21 {
        %get3A_59 = arith.constant 0 : index
        %get3A_60 = arith.constant 0 : index
        %get3A_61 = vector.load %arg3[%get3A_59, %get3A_60] : memref<1024x768xf32, #tpu.memory_space<vmem>>, vector<1024x768xf32>
        %mul3A_62 = arith.mulf %get3A_61, %get3A_61 : vector<1024x768xf32>
        %reduce_sum3A_63 = arith.constant dense<0.000000e+00> : vector<1024xf32>
        %reduce_sum3A_64 = vector.multi_reduction <add>, %mul3A_62, %reduce_sum3A_63 [1] : vector<1024x768xf32> to vector<1024xf32>
        %broadcast_in_dim3A_65 = vector.shape_cast %reduce_sum3A_64 : vector<1024xf32> to vector<1024x1xf32>
        %max3A_66 = arith.constant 9.99999996E-13 : f32
        %max3A_67 = vector.broadcast %max3A_66 : f32 to vector<1024x1xf32>
        %max3A_68 = arith.maximumf %broadcast_in_dim3A_65, %max3A_67 : vector<1024x1xf32>
        %rsqrt3A_69 = math.rsqrt %max3A_68 : vector<1024x1xf32>
        %mul3A_70 = vector.broadcast %rsqrt3A_69 : vector<1024x1xf32> to vector<1024x768xf32>
        %mul3A_71 = arith.mulf %get3A_61, %mul3A_70 : vector<1024x768xf32>
        %swap3A_72 = arith.constant 0 : index
        %swap3A_73 = arith.constant 0 : index
        %swap3A_74 = vector.load %arg5[%swap3A_72, %swap3A_73] : memref<1024x768xf32, #tpu.memory_space<vmem>>, vector<1024x768xf32>
        tpu.vector_store %arg5[%swap3A_72, %swap3A_73], %mul3A_71 {strides = array<i32>} : memref<1024x768xf32, #tpu.memory_space<vmem>>, vector<1024x768xf32>,
        %broadcast_in_dim3A_75 = arith.constant 0.000000e+00 : f32
        %broadcast_in_dim3A_76 = vector.broadcast %broadcast_in_dim3A_75 : f32 to vector<1x1024xf32>
        %swap3A_77 = arith.constant 0 : index
        %swap3A_78 = arith.constant 0 : index
        %swap3A_79 = vector.load %arg7[%swap3A_77, %swap3A_78] : memref<1x1024xf32, #tpu.memory_space<vmem>>, vector<1x1024xf32>
        tpu.vector_store %arg7[%swap3A_77, %swap3A_78], %broadcast_in_dim3A_76 {strides = array<i32>} : memref<1x1024xf32, #tpu.memory_space<vmem>>, vector<1x1024xf32>,
      } else {
      }
      %get3A = arith.constant 0 : index
      %get3A_22 = arith.constant 0 : index
      %get3A_23 = vector.load %arg2[%get3A, %get3A_22] : memref<1024x768xf32, #tpu.memory_space<vmem>>, vector<1024x768xf32>
      %mul3A = arith.mulf %get3A_23, %get3A_23 : vector<1024x768xf32>
      %reduce_sum3A = arith.constant dense<0.000000e+00> : vector<1024xf32>
      %reduce_sum3A_24 = vector.multi_reduction <add>, %mul3A, %reduce_sum3A [1] : vector<1024x768xf32> to vector<1024xf32>
      %broadcast_in_dim3A = vector.shape_cast %reduce_sum3A_24 : vector<1024xf32> to vector<1024x1xf32>
      %max3A = arith.constant 9.99999996E-13 : f32
      %max3A_25 = vector.broadcast %max3A : f32 to vector<1024x1xf32>
      %max3A_26 = arith.maximumf %broadcast_in_dim3A, %max3A_25 : vector<1024x1xf32>
      %rsqrt3A = math.rsqrt %max3A_26 : vector<1024x1xf32>
      %mul3A_27 = vector.broadcast %rsqrt3A : vector<1024x1xf32> to vector<1024x768xf32>
      %mul3A_28 = arith.mulf %get3A_23, %mul3A_27 : vector<1024x768xf32>
      %get3A_29 = arith.constant 0 : index
      %get3A_30 = arith.constant 0 : index
      %get3A_31 = vector.load %arg5[%get3A_29, %get3A_30] : memref<1024x768xf32, #tpu.memory_space<vmem>>, vector<1024x768xf32>
      %dot_general3A = arith.constant dense<0.000000e+00> : vector<1024x1024xf32>
      %dot_general3A_32 = tpu.matmul %mul3A_28, %get3A_31, %dot_general3A {dimension_numbers = #tpu.dot_dimension_numbers<[1], [1], [0], [0], [0, 0, 1, 0], [], []>, transpose_lhs_hint = false} : vector<1024x768xf32>, vector<1024x768xf32>, vector<1024x1024xf32> -> vector<1024x1024xf32>
      %mul3A_33 = arith.constant 2.000000e+01 : f32
      %mul3A_34 = vector.broadcast %mul3A_33 : f32 to vector<1024x1024xf32>
      %mul3A_35 = arith.mulf %dot_general3A_32, %mul3A_34 : vector<1024x1024xf32>
      %exp3A = math.exp %mul3A_35 : vector<1024x1024xf32>
      %mul3A_36 = arith.constant 1024 : i32
      %mul3A_37 = arith.muli %arg1, %mul3A_36 : i32
      %swap3A = arith.index_cast %mul3A_37 : i32 to index
      %swap3A_38 = arith.constant 0 : index
      %swap3A_39 = vector.load %arg6[%swap3A, %swap3A_38] : memref<9216x1024xf32, #tpu.memory_space<vmem>>, vector<1024x1024xf32>
      tpu.vector_store %arg6[%swap3A, %swap3A_38], %exp3A {strides = array<i32>} : memref<9216x1024xf32, #tpu.memory_space<vmem>>, vector<1024x1024xf32>,
      %reduce_sum3A_40 = arith.constant dense<0.000000e+00> : vector<1024xf32>
      %reduce_sum3A_41 = vector.multi_reduction <add>, %exp3A, %reduce_sum3A_40 [1] : vector<1024x1024xf32> to vector<1024xf32>
      %broadcast_in_dim3A_42 = vector.shape_cast %reduce_sum3A_41 : vector<1024xf32> to vector<1024x1xf32>
      %mul3A_43 = arith.constant 9.216000e+03 : f32
      %mul3A_44 = vector.broadcast %mul3A_43 : f32 to vector<1024x1xf32>
      %mul3A_45 = arith.mulf %mul3A_44, %broadcast_in_dim3A_42 : vector<1024x1xf32>
      %div3A = arith.constant 1.000000e+00 : f32
      %div3A_46 = vector.broadcast %div3A : f32 to vector<1024x1xf32>
      %div3A_47 = arith.divf %div3A_46, %mul3A_45 : vector<1024x1xf32>
      %get3A_48 = arith.constant 0 : index
      %get3A_49 = arith.constant 0 : index
      %get3A_50 = vector.load %arg7[%get3A_48, %get3A_49] : memref<1x1024xf32, #tpu.memory_space<vmem>>, vector<1x1024xf32>
      %mul3A_51 = vector.broadcast %div3A_47 : vector<1024x1xf32> to vector<1024x1024xf32>
      %mul3A_52 = arith.mulf %exp3A, %mul3A_51 : vector<1024x1024xf32>
      %reduce_sum3A_53 = arith.constant dense<0.000000e+00> : vector<1024xf32>
      %reduce_sum3A_54 = vector.multi_reduction <add>, %mul3A_52, %reduce_sum3A_53 [0] : vector<1024x1024xf32> to vector<1024xf32>
      %broadcast_in_dim3A_55 = vector.shape_cast %reduce_sum3A_54 : vector<1024xf32> to vector<1x1024xf32>
      %add3A = arith.addf %get3A_50, %broadcast_in_dim3A_55 : vector<1x1024xf32>
      %swap3A_56 = arith.constant 0 : index
      %swap3A_57 = arith.constant 0 : index
      %swap3A_58 = vector.load %arg7[%swap3A_56, %swap3A_57] : memref<1x1024xf32, #tpu.memory_space<vmem>>, vector<1x1024xf32>
      tpu.vector_store %arg7[%swap3A_56, %swap3A_57], %add3A {strides = array<i32>} : memref<1x1024xf32, #tpu.memory_space<vmem>>, vector<1x1024xf32>,
    } else {
    }
    %eq3A_2 = arith.constant 1 : i32
    %eq3A_3 = arith.cmpi eq, %arg0, %eq3A_2 : i32
    %convert_element_type3A_4 = arith.extui %eq3A_3 : i1 to i32
    %cond3A_5 = arith.constant 0 : i32
    %cond3A_6 = arith.cmpi ne, %convert_element_type3A_4, %cond3A_5 : i32
    scf.if %cond3A_6 {
      %eq3A_17 = arith.constant 0 : i32
      %eq3A_18 = arith.cmpi eq, %arg1, %eq3A_17 : i32
      %convert_element_type3A_19 = arith.extui %eq3A_18 : i1 to i32
      %cond3A_20 = arith.constant 0 : i32
      %cond3A_21 = arith.cmpi ne, %convert_element_type3A_19, %cond3A_20 : i32
      scf.if %cond3A_21 {
        %broadcast_in_dim3A_52 = arith.constant 0.000000e+00 : f32
        %broadcast_in_dim3A_53 = vector.broadcast %broadcast_in_dim3A_52 : f32 to vector<1x1024xf32>
        %swap3A_54 = arith.constant 0 : index
        %swap3A_55 = arith.constant 0 : index
        %swap3A_56 = vector.load %arg8[%swap3A_54, %swap3A_55] : memref<1x1024xf32, #tpu.memory_space<vmem>>, vector<1x1024xf32>
        tpu.vector_store %arg8[%swap3A_54, %swap3A_55], %broadcast_in_dim3A_53 {strides = array<i32>} : memref<1x1024xf32, #tpu.memory_space<vmem>>, vector<1x1024xf32>,
      } else {
      }
      %mul3A = arith.constant 1024 : i32
      %mul3A_22 = arith.muli %arg1, %mul3A : i32
      %get3A = arith.index_cast %mul3A_22 : i32 to index
      %get3A_23 = arith.constant 0 : index
      %get3A_24 = vector.load %arg6[%get3A, %get3A_23] : memref<9216x1024xf32, #tpu.memory_space<vmem>>, vector<1024x1024xf32>
      %get3A_25 = arith.constant 0 : index
      %get3A_26 = arith.constant 0 : index
      %get3A_27 = vector.load %arg7[%get3A_25, %get3A_26] : memref<1x1024xf32, #tpu.memory_space<vmem>>, vector<1x1024xf32>
      %mul3A_28 = arith.constant 1.024000e+03 : f32
      %mul3A_29 = vector.broadcast %mul3A_28 : f32 to vector<1x1024xf32>
      %mul3A_30 = arith.mulf %mul3A_29, %get3A_27 : vector<1x1024xf32>
      %div3A = arith.constant 1.000000e+00 : f32
      %div3A_31 = vector.broadcast %div3A : f32 to vector<1x1024xf32>
      %div3A_32 = arith.divf %div3A_31, %mul3A_30 : vector<1x1024xf32>
      %mul3A_33 = vector.broadcast %div3A_32 : vector<1x1024xf32> to vector<1024x1024xf32>
      %mul3A_34 = arith.mulf %get3A_24, %mul3A_33 : vector<1024x1024xf32>
      %reduce_sum3A = arith.constant dense<0.000000e+00> : vector<1024xf32>
      %reduce_sum3A_35 = vector.multi_reduction <add>, %mul3A_34, %reduce_sum3A [1] : vector<1024x1024xf32> to vector<1024xf32>
      %broadcast_in_dim3A = vector.shape_cast %reduce_sum3A_35 : vector<1024xf32> to vector<1024x1xf32>
      %mul3A_36 = arith.constant 9.216000e+03 : f32
      %mul3A_37 = vector.broadcast %mul3A_36 : f32 to vector<1024x1xf32>
      %mul3A_38 = arith.mulf %mul3A_37, %broadcast_in_dim3A : vector<1024x1xf32>
      %div3A_39 = arith.constant 1.000000e+00 : f32
      %div3A_40 = vector.broadcast %div3A_39 : f32 to vector<1024x1xf32>
      %div3A_41 = arith.divf %div3A_40, %mul3A_38 : vector<1024x1xf32>
      %get3A_42 = arith.constant 0 : index
      %get3A_43 = arith.constant 0 : index
      %get3A_44 = vector.load %arg8[%get3A_42, %get3A_43] : memref<1x1024xf32, #tpu.memory_space<vmem>>, vector<1x1024xf32>
      %mul3A_45 = vector.broadcast %div3A_41 : vector<1024x1xf32> to vector<1024x1024xf32>
      %mul3A_46 = arith.mulf %get3A_24, %mul3A_45 : vector<1024x1024xf32>
      %reduce_sum3A_47 = arith.constant dense<0.000000e+00> : vector<1024xf32>
      %reduce_sum3A_48 = vector.multi_reduction <add>, %mul3A_46, %reduce_sum3A_47 [0] : vector<1024x1024xf32> to vector<1024xf32>
      %broadcast_in_dim3A_49 = vector.shape_cast %reduce_sum3A_48 : vector<1024xf32> to vector<1x1024xf32>
      %add3A = arith.addf %get3A_44, %broadcast_in_dim3A_49 : vector<1x1024xf32>
      %swap3A = arith.constant 0 : index
      %swap3A_50 = arith.constant 0 : index
      %swap3A_51 = vector.load %arg8[%swap3A, %swap3A_50] : memref<1x1024xf32, #tpu.memory_space<vmem>>, vector<1x1024xf32>
      tpu.vector_store %arg8[%swap3A, %swap3A_50], %add3A {strides = array<i32>} : memref<1x1024xf32, #tpu.memory_space<vmem>>, vector<1x1024xf32>,
    } else {
    }
    %eq3A_7 = arith.constant 2 : i32
    %eq3A_8 = arith.cmpi eq, %arg0, %eq3A_7 : i32
    %convert_element_type3A_9 = arith.extui %eq3A_8 : i1 to i32
    %cond3A_10 = arith.constant 0 : i32
    %cond3A_11 = arith.cmpi ne, %convert_element_type3A_9, %cond3A_10 : i32
    scf.if %cond3A_11 {
      %eq3A_17 = arith.constant 0 : i32
      %eq3A_18 = arith.cmpi eq, %arg1, %eq3A_17 : i32
      %convert_element_type3A_19 = arith.extui %eq3A_18 : i1 to i32
      %cond3A_20 = arith.constant 0 : i32
      %cond3A_21 = arith.cmpi ne, %convert_element_type3A_19, %cond3A_20 : i32
      scf.if %cond3A_21 {
        %broadcast_in_dim3A_52 = arith.constant 0.000000e+00 : f32
        %broadcast_in_dim3A_53 = vector.broadcast %broadcast_in_dim3A_52 : f32 to vector<1x1024xf32>
        %swap3A_54 = arith.constant 0 : index
        %swap3A_55 = arith.constant 0 : index
        %swap3A_56 = vector.load %arg7[%swap3A_54, %swap3A_55] : memref<1x1024xf32, #tpu.memory_space<vmem>>, vector<1x1024xf32>
        tpu.vector_store %arg7[%swap3A_54, %swap3A_55], %broadcast_in_dim3A_53 {strides = array<i32>} : memref<1x1024xf32, #tpu.memory_space<vmem>>, vector<1x1024xf32>,
      } else {
      }
      %mul3A = arith.constant 1024 : i32
      %mul3A_22 = arith.muli %arg1, %mul3A : i32
      %get3A = arith.index_cast %mul3A_22 : i32 to index
      %get3A_23 = arith.constant 0 : index
      %get3A_24 = vector.load %arg6[%get3A, %get3A_23] : memref<9216x1024xf32, #tpu.memory_space<vmem>>, vector<1024x1024xf32>
      %get3A_25 = arith.constant 0 : index
      %get3A_26 = arith.constant 0 : index
      %get3A_27 = vector.load %arg8[%get3A_25, %get3A_26] : memref<1x1024xf32, #tpu.memory_space<vmem>>, vector<1x1024xf32>
      %mul3A_28 = arith.constant 1.024000e+03 : f32
      %mul3A_29 = vector.broadcast %mul3A_28 : f32 to vector<1x1024xf32>
      %mul3A_30 = arith.mulf %mul3A_29, %get3A_27 : vector<1x1024xf32>
      %div3A = arith.constant 1.000000e+00 : f32
      %div3A_31 = vector.broadcast %div3A : f32 to vector<1x1024xf32>
      %div3A_32 = arith.divf %div3A_31, %mul3A_30 : vector<1x1024xf32>
      %mul3A_33 = vector.broadcast %div3A_32 : vector<1x1024xf32> to vector<1024x1024xf32>
      %mul3A_34 = arith.mulf %get3A_24, %mul3A_33 : vector<1024x1024xf32>
      %reduce_sum3A = arith.constant dense<0.000000e+00> : vector<1024xf32>
      %reduce_sum3A_35 = vector.multi_reduction <add>, %mul3A_34, %reduce_sum3A [1] : vector<1024x1024xf32> to vector<1024xf32>
      %broadcast_in_dim3A = vector.shape_cast %reduce_sum3A_35 : vector<1024xf32> to vector<1024x1xf32>
      %mul3A_36 = arith.constant 9.216000e+03 : f32
      %mul3A_37 = vector.broadcast %mul3A_36 : f32 to vector<1024x1xf32>
      %mul3A_38 = arith.mulf %mul3A_37, %broadcast_in_dim3A : vector<1024x1xf32>
      %div3A_39 = arith.constant 1.000000e+00 : f32
      %div3A_40 = vector.broadcast %div3A_39 : f32 to vector<1024x1xf32>
      %div3A_41 = arith.divf %div3A_40, %mul3A_38 : vector<1024x1xf32>
      %get3A_42 = arith.constant 0 : index
      %get3A_43 = arith.constant 0 : index
      %get3A_44 = vector.load %arg7[%get3A_42, %get3A_43] : memref<1x1024xf32, #tpu.memory_space<vmem>>, vector<1x1024xf32>
      %mul3A_45 = vector.broadcast %div3A_41 : vector<1024x1xf32> to vector<1024x1024xf32>
      %mul3A_46 = arith.mulf %get3A_24, %mul3A_45 : vector<1024x1024xf32>
      %reduce_sum3A_47 = arith.constant dense<0.000000e+00> : vector<1024xf32>
      %reduce_sum3A_48 = vector.multi_reduction <add>, %mul3A_46, %reduce_sum3A_47 [0] : vector<1024x1024xf32> to vector<1024xf32>
      %broadcast_in_dim3A_49 = vector.shape_cast %reduce_sum3A_48 : vector<1024xf32> to vector<1x1024xf32>
      %add3A = arith.addf %get3A_44, %broadcast_in_dim3A_49 : vector<1x1024xf32>
      %swap3A = arith.constant 0 : index
      %swap3A_50 = arith.constant 0 : index
      %swap3A_51 = vector.load %arg7[%swap3A, %swap3A_50] : memref<1x1024xf32, #tpu.memory_space<vmem>>, vector<1x1024xf32>
      tpu.vector_store %arg7[%swap3A, %swap3A_50], %add3A {strides = array<i32>} : memref<1x1024xf32, #tpu.memory_space<vmem>>, vector<1x1024xf32>,
    } else {
    }
    %eq3A_12 = arith.constant 3 : i32
    %eq3A_13 = arith.cmpi eq, %arg0, %eq3A_12 : i32
    %convert_element_type3A_14 = arith.extui %eq3A_13 : i1 to i32
    %cond3A_15 = arith.constant 0 : i32
    %cond3A_16 = arith.cmpi ne, %convert_element_type3A_14, %cond3A_15 : i32
    scf.if %cond3A_16 {
      %mul3A = arith.constant 1024 : i32
      %mul3A_17 = arith.muli %arg1, %mul3A : i32
      %get3A = arith.index_cast %mul3A_17 : i32 to index
      %get3A_18 = arith.constant 0 : index
      %get3A_19 = vector.load %arg6[%get3A, %get3A_18] : memref<9216x1024xf32, #tpu.memory_space<vmem>>, vector<1024x1024xf32>
      %get3A_20 = arith.constant 0 : index
      %get3A_21 = arith.constant 0 : index
      %get3A_22 = vector.load %arg7[%get3A_20, %get3A_21] : memref<1x1024xf32, #tpu.memory_space<vmem>>, vector<1x1024xf32>
      %mul3A_23 = arith.constant 1.024000e+03 : f32
      %mul3A_24 = vector.broadcast %mul3A_23 : f32 to vector<1x1024xf32>
      %mul3A_25 = arith.mulf %mul3A_24, %get3A_22 : vector<1x1024xf32>
      %div3A = arith.constant 1.000000e+00 : f32
      %div3A_26 = vector.broadcast %div3A : f32 to vector<1x1024xf32>
      %div3A_27 = arith.divf %div3A_26, %mul3A_25 : vector<1x1024xf32>
      %mul3A_28 = vector.broadcast %div3A_27 : vector<1x1024xf32> to vector<1024x1024xf32>
      %mul3A_29 = arith.mulf %get3A_19, %mul3A_28 : vector<1024x1024xf32>
      %argmax3A = tpu.reduce_index %mul3A_29 {axis = 1 : i32, kind = #tpu.reduction_kind<arg_max>} : vector<1024x1024xf32> -> vector<1024xi32>
      %broadcast_in_dim3A = vector.shape_cast %argmax3A : vector<1024xi32> to vector<1024x1xi32>
      %mul3A_30 = arith.constant 1024 : i32
      %mul3A_31 = arith.muli %arg1, %mul3A_30 : i32
      %swap3A = arith.index_cast %mul3A_31 : i32 to index
      %swap3A_32 = arith.constant 0 : index
      %swap3A_33 = vector.load %arg4[%swap3A, %swap3A_32] : memref<9216x1xi32, #tpu.memory_space<vmem>>, vector<1024x1xi32>
      tpu.vector_store %arg4[%swap3A, %swap3A_32], %broadcast_in_dim3A {strides = array<i32>} : memref<9216x1xi32, #tpu.memory_space<vmem>>, vector<1024x1xi32>,
    } else {
    }
    return
  }
  func.func @transform_0(%arg0: i32, %arg1: i32) -> (i32, i32) {
    %eq3A = arith.constant 0 : i32
    %eq3A_0 = arith.cmpi eq, %arg0, %eq3A : i32
    %select_n3A = arith.constant 0 : i32
    %select_n3A_1 = arith.select %eq3A_0, %arg1, %select_n3A : i32
    %c0_i32 = arith.constant 0 : i32
    %c0_i32_2 = arith.constant 0 : i32
    return %select_n3A_1, %c0_i32 : i32, i32
  }
  func.func @transform_1(%arg0: i32, %arg1: i32) -> (i32, i32) {
    %c0_i32 = arith.constant 0 : i32
    %c0_i32_0 = arith.constant 0 : i32
    %c0_i32_1 = arith.constant 0 : i32
    return %c0_i32, %c0_i32_0 : i32, i32
  }
  func.func @transform_2(%arg0: i32, %arg1: i32) -> (i32, i32) {
    %c0_i32 = arith.constant 0 : i32
    %c0_i32_0 = arith.constant 0 : i32
    %c0_i32_1 = arith.constant 0 : i32
    return %c0_i32, %c0_i32_0 : i32, i32
  }
}

module attributes {stable_mosaic.version = 14 : i64} {
  func.func @_k5_body(%arg0: i32, %arg1: memref<1024x768xf32, #tpu.memory_space<vmem>>, %arg2: memref<1024x768xf32, #tpu.memory_space<vmem>>, %arg3: memref<768x768xbf16, #tpu.memory_space<vmem>>, %arg4: memref<768x768xbf16, #tpu.memory_space<vmem>>, %arg5: memref<1x768xf32, #tpu.memory_space<vmem>>, %arg6: memref<1x768xf32, #tpu.memory_space<vmem>>, %arg7: memref<1024x768xf32, #tpu.memory_space<vmem>>) attributes {dimension_semantics = [#tpu.dimension_semantics<arbitrary>], iteration_bounds = array<i64: 9>, scalar_prefetch = 0 : i64, scratch_operands = 0 : i64, tpu.core_type = #tpu.core_type<tc>, window_params = [{transform_indices = @transform_0, window_bounds = array<i64: 1024, 768>}, {transform_indices = @transform_1, window_bounds = array<i64: 1024, 768>}, {pipeline_mode = #tpu.pipeline_mode<synchronous>, transform_indices = @transform_2, window_bounds = array<i64: 768, 768>}, {pipeline_mode = #tpu.pipeline_mode<synchronous>, transform_indices = @transform_3, window_bounds = array<i64: 768, 768>}, {pipeline_mode = #tpu.pipeline_mode<synchronous>, transform_indices = @transform_4, window_bounds = array<i64: 1, 768>}, {pipeline_mode = #tpu.pipeline_mode<synchronous>, transform_indices = @transform_5, window_bounds = array<i64: 1, 768>}, {transform_indices = @transform_6, window_bounds = array<i64: 1024, 768>}]} {
    %get3A = arith.constant 0 : index
    %get3A_0 = arith.constant 0 : index
    %get3A_1 = vector.load %arg1[%get3A, %get3A_0] : memref<1024x768xf32, #tpu.memory_space<vmem>>, vector<1024x768xf32>
    %mul3A = arith.constant 5.000000e-01 : f32
    %mul3A_2 = vector.broadcast %mul3A : f32 to vector<1024x768xf32>
    %mul3A_3 = arith.mulf %mul3A_2, %get3A_1 : vector<1024x768xf32>
    %get3A_4 = arith.constant 0 : index
    %get3A_5 = arith.constant 0 : index
    %get3A_6 = vector.load %arg2[%get3A_4, %get3A_5] : memref<1024x768xf32, #tpu.memory_space<vmem>>, vector<1024x768xf32>
    %mul3A_7 = arith.constant 5.000000e-01 : f32
    %mul3A_8 = vector.broadcast %mul3A_7 : f32 to vector<1024x768xf32>
    %mul3A_9 = arith.mulf %mul3A_8, %get3A_6 : vector<1024x768xf32>
    %add3A = arith.addf %mul3A_3, %mul3A_9 : vector<1024x768xf32>
    %convert_element_type3A = arith.truncf %add3A : vector<1024x768xf32> to vector<1024x768xbf16>
    %get3A_10 = arith.constant 0 : index
    %get3A_11 = arith.constant 0 : index
    %get3A_12 = vector.load %arg3[%get3A_10, %get3A_11] : memref<768x768xbf16, #tpu.memory_space<vmem>>, vector<768x768xbf16>
    %dot_general3A = arith.constant dense<0.000000e+00> : vector<1024x768xf32>
    %dot_general3A_13 = tpu.matmul %convert_element_type3A, %get3A_12, %dot_general3A {dimension_numbers = #tpu.dot_dimension_numbers<[1], [0], [0], [1], [0, 0, 1, 1], [], []>, transpose_lhs_hint = false} : vector<1024x768xbf16>, vector<768x768xbf16>, vector<1024x768xf32> -> vector<1024x768xf32>
    %get3A_14 = arith.constant 0 : index
    %get3A_15 = arith.constant 0 : index
    %get3A_16 = vector.load %arg5[%get3A_14, %get3A_15] : memref<1x768xf32, #tpu.memory_space<vmem>>, vector<1x768xf32>
    %add3A_17 = vector.broadcast %get3A_16 : vector<1x768xf32> to vector<1024x768xf32>
    %add3A_18 = arith.addf %dot_general3A_13, %add3A_17 : vector<1024x768xf32>
    %get3A_19 = arith.constant 0 : index
    %get3A_20 = arith.constant 0 : index
    %get3A_21 = vector.load %arg4[%get3A_19, %get3A_20] : memref<768x768xbf16, #tpu.memory_space<vmem>>, vector<768x768xbf16>
    %dot_general3A_22 = arith.constant dense<0.000000e+00> : vector<1024x768xf32>
    %dot_general3A_23 = tpu.matmul %convert_element_type3A, %get3A_21, %dot_general3A_22 {dimension_numbers = #tpu.dot_dimension_numbers<[1], [0], [0], [1], [0, 0, 1, 1], [], []>, transpose_lhs_hint = false} : vector<1024x768xbf16>, vector<768x768xbf16>, vector<1024x768xf32> -> vector<1024x768xf32>
    %get3A_24 = arith.constant 0 : index
    %get3A_25 = arith.constant 0 : index
    %get3A_26 = vector.load %arg6[%get3A_24, %get3A_25] : memref<1x768xf32, #tpu.memory_space<vmem>>, vector<1x768xf32>
    %add3A_27 = vector.broadcast %get3A_26 : vector<1x768xf32> to vector<1024x768xf32>
    %add3A_28 = arith.addf %dot_general3A_23, %add3A_27 : vector<1024x768xf32>
    %neg3A = arith.constant 0.000000e+00 : f32
    %neg3A_29 = vector.broadcast %neg3A : f32 to vector<1024x768xf32>
    %neg3A_30 = arith.subf %neg3A_29, %add3A_28 : vector<1024x768xf32>
    %exp3A = math.exp %neg3A_30 : vector<1024x768xf32>
    %add3A_31 = arith.constant 1.000000e+00 : f32
    %add3A_32 = vector.broadcast %add3A_31 : f32 to vector<1024x768xf32>
    %add3A_33 = arith.addf %add3A_32, %exp3A : vector<1024x768xf32>
    %div3A = arith.constant 1.000000e+00 : f32
    %div3A_34 = vector.broadcast %div3A : f32 to vector<1024x768xf32>
    %div3A_35 = arith.divf %div3A_34, %add3A_33 : vector<1024x768xf32>
    %mul3A_36 = arith.mulf %add3A_18, %div3A_35 : vector<1024x768xf32>
    %swap3A = arith.constant 0 : index
    %swap3A_37 = arith.constant 0 : index
    %swap3A_38 = vector.load %arg7[%swap3A, %swap3A_37] : memref<1024x768xf32, #tpu.memory_space<vmem>>, vector<1024x768xf32>
    tpu.vector_store %arg7[%swap3A, %swap3A_37], %mul3A_36 {strides = array<i32>} : memref<1024x768xf32, #tpu.memory_space<vmem>>, vector<1024x768xf32>,
    return
  }
  func.func @transform_0(%arg0: i32) -> (i32, i32) {
    %c0_i32 = arith.constant 0 : i32
    %c0_i32_0 = arith.constant 0 : i32
    return %arg0, %c0_i32 : i32, i32
  }
  func.func @transform_1(%arg0: i32) -> (i32, i32) {
    %c0_i32 = arith.constant 0 : i32
    %c0_i32_0 = arith.constant 0 : i32
    return %arg0, %c0_i32 : i32, i32
  }
  func.func @transform_2(%arg0: i32) -> (i32, i32) {
    %c0_i32 = arith.constant 0 : i32
    %c0_i32_0 = arith.constant 0 : i32
    %c0_i32_1 = arith.constant 0 : i32
    return %c0_i32, %c0_i32_0 : i32, i32
  }
  func.func @transform_3(%arg0: i32) -> (i32, i32) {
    %c0_i32 = arith.constant 0 : i32
    %c0_i32_0 = arith.constant 0 : i32
    %c0_i32_1 = arith.constant 0 : i32
    return %c0_i32, %c0_i32_0 : i32, i32
  }
  func.func @transform_4(%arg0: i32) -> (i32, i32) {
    %c0_i32 = arith.constant 0 : i32
    %c0_i32_0 = arith.constant 0 : i32
    %c0_i32_1 = arith.constant 0 : i32
    return %c0_i32, %c0_i32_0 : i32, i32
  }
  func.func @transform_5(%arg0: i32) -> (i32, i32) {
    %c0_i32 = arith.constant 0 : i32
    %c0_i32_0 = arith.constant 0 : i32
    %c0_i32_1 = arith.constant 0 : i32
    return %c0_i32, %c0_i32_0 : i32, i32
  }
  func.func @transform_6(%arg0: i32) -> (i32, i32) {
    %c0_i32 = arith.constant 0 : i32
    %c0_i32_0 = arith.constant 0 : i32
    return %arg0, %c0_i32 : i32, i32
  }
}

</mosaic_0001>

<sc_bundles>
// kernel: kernel.5.cloned.1.call-start
scs
__scs_entry_jumppad:
0x0: {  	(pc) =	sbr.rel $0x88, $3  }
0x1: {  	(tag) =	ssettag $0x0;
	lr =	simm.s32 $0x1  }
0x2: {  	[smem:$0x3F9D] =	sst lr;
	_ =	strace $0xD0000000  }
0x3: {  	_ = 	snop  }
0x4: {  	_ = 	snop  }
0x5: {  	_ = 	snop  }
0x6: {  	_ = 	snop  }
0x7: {  	_ = 	snop  }
__scs_overlays_trampoline_lowered:
0x8: {  	[smem:$0x3FAC] =	sst s0  }
0x9: {  	[smem:$0x3FAD] =	sst s1  }
0xa: {  	[smem:$0x3FAE] =	sst s2  }
0xb: {  	[smem:$0x3FAF] =	sst s3  }
0xc: {  	[smem:$0x3FB0] =	sst s4  }
0xd: {  	[smem:$0x3FB1] =	sst s5  }
0xe: {  	[smem:$0x3FB2] =	sst s6  }
0xf: {  	[smem:$0x3FB3] =	sst s7  }
0x10: {  	[smem:$0x3FB4] =	sst s8  }
0x11: {  	[smem:$0x3FB5] =	sst s9;
	s0 =	simm.s32 @!p0 $0x0  }
0x12: {  	s1 =	sld [smem:$0x3F9B];
	s0 =	simm.s32 @p0 $0x1  }
0x13: {  	[smem:$0x3FB6] =	sst s0;
	s0 =	simm.s32 @!p1 $0x0  }
0x14: {  	s2 =	sld [smem:$0x3F9A];
	s0 =	simm.s32 @p1 $0x1  }
0x15: {  	[smem:$0x3FB7] =	sst s0;
	s0 =	simm.s32 @!p2 $0x0  }
0x16: {  	s3 =	sld [smem:$0x3FDB];
	s0 =	simm.s32 @p2 $0x1  }
0x17: {  	s4 =	simm.s32 $0x1BF5;
	[smem:$0x3FB9] =	sst s0  }
0x18: {  	s0 =	sld [smem:$0x3F9C];
	_ =	swait.ge [sflag:s4], $0x0  }
0x19: {  	s7 =	sld [smem:$0x3F9D]  }
0x1a: {  	s8 =	sadd.s32 $0xFFFFE003, lr  }
0x1b: {  	s9 =	sadd.s32 $0xFFFFFEF7, lr;
	s5 =	simm.s32 $0xFFFFFFFF;
	p2 =	slt.u32 s8, $0xFFFFF086  }
0x1c: {  	p1 =	slt.u32 s9, $0xF7A;
	s5 =	simm.s32 @!p2 $0x0  }
0x1d: {  	s5 =	simm.s32 @p1 $0x1;
	p0 =	seq.s32 s7, s2  }
0x1e: {  	s7 =	smul.u32 @!p0 $0xF7A, s2;
	p2 =	seq.s32 @!p0 s5, $0x0  }
0x1f: {  	s9 =	smul.u32 $0xF7A, s1;
	s8 =	simm.s32 @!p0 $0x1BF5;
	p2 =	por !p2, p0  }
0x20: {  	[sflag:s8] =	ssyncset.s32 @!p0 $0xFFFFF086;
	s6 =	sadd.s32 @!p0 s3, s7;
	s7 =	simm.s32 @!p0 $0x108  }
0x21: {  	s3 =	sadd.s32 s3, s9;
	s6 =	sadd.s32 @!p0 $0x88, s6;
	s7 =	simm.s32 @p2 $0x1082  }
0x22: {  	[simem:s7], [sflag:s8] =	dma.local @!p0 [hbm:s6], $0xF7A  }
0x23: {  	s9 =	sor.u32 $0xD0000000, s2;
	s6 =	simm.s32 $0x108;
	_ =	swait.ge @!p0 [sflag:s8], $0x0  }
0x24: {  	s3 =	sadd.s32 $0x88, s3;
	s6 =	simm.s32 @!p1 $0x1082;
	[sflag:s4] =	ssyncset.s32 $0xFFFFF086  }
0x25: {  	[simem:s6], [sflag:s4] =	dma.local [hbm:s3], $0xF7A  }
0x26: {  	[smem:$0x3F9D] =	sst s1;
	(tag) =	ssettag s2;
	_ =	strace s9  }
0x27: {  	s1 =	sld [smem:$0x3FAD]  }
0x28: {  	s2 =	sld [smem:$0x3FAE]  }
0x29: {  	s4 =	sld [smem:$0x3FB0]  }
0x2a: {  	p0 =	seq.s32 s5, $0x0;
	s5 =	sld [smem:$0x3FB1]  }
0x2b: {  	s6 =	sld [smem:$0x3FB2]  }
0x2c: {  	s7 =	sld [smem:$0x3FB3]  }
0x2d: {  	s3 =	simm.s32 $0x108;
	s8 =	sld [smem:$0x3FB4]  }
0x2e: {  	s3 =	simm.s32 @!p0 $0x1082;
	s9 =	sld [smem:$0x3FB5]  }
0x2f: {  	lr =	sadd.s32 s0, s3;
	s0 =	sld [smem:$0x3FAC]  }
0x30: {  	s3 =	sld [smem:$0x3FAF]  }
0x31: {  	[smem:$0x3FB8] =	sst s10  }
0x32: {  	s10 =	sld [smem:$0x3FB6];
	_ =	sdelay $0x3  }
0x33: {  	p0 =	seq.s32 s10, $0x1;
	s10 =	sld [smem:$0x3FB8];
	_ =	sdelay $0x3  }
0x34: {  	[smem:$0x3FB8] =	sst s10  }
0x35: {  	s10 =	sld [smem:$0x3FB7];
	_ =	sdelay $0x3  }
0x36: {  	p1 =	seq.s32 s10, $0x1;
	s10 =	sld [smem:$0x3FB8];
	_ =	sdelay $0x3  }
0x37: {  	[smem:$0x3FB8] =	sst s10  }
0x38: {  	s10 =	sld [smem:$0x3FB9]  }
0x39: {  	_ = 	snop;
	(pc) =	sbr.ind lr, $3  }
0x3a: {  	_ = 	snop  }
0x3b: {  	_ = 	snop  }
0x3c: {  	p2 =	seq.s32 s10, $0x1;
	s10 =	sld [smem:$0x3FB8]  }
0x3d: {  	_ =	shalt  }
0x3e: {  	_ =	shalt  }
0x3f: {  	_ =	shalt  }
0x40: {  	_ =	shalt  }
0x41: {  	_ =	shalt  }
0x42: {  	_ =	shalt  }
0x43: {  	_ =	shalt  }
0x44: {  	_ =	shalt  }
0x45: {  	_ =	shalt  }
0x46: {  	_ =	shalt  }
0x47: {  	_ =	shalt  }
0x48: {  	_ =	shalt  }
0x49: {  	_ =	shalt  }
0x4a: {  	_ =	shalt  }
0x4b: {  	_ =	shalt  }
0x4c: {  	_ =	shalt  }
0x4d: {  	_ =	shalt  }
0x4e: {  	_ =	shalt  }
0x4f: {  	_ =	shalt  }
0x50: {  	_ =	shalt  }
0x51: {  	_ =	shalt  }
0x52: {  	_ =	shalt  }
0x53: {  	_ =	shalt  }
0x54: {  	_ =	shalt  }
0x55: {  	_ =	shalt  }
0x56: {  	_ =	shalt  }
0x57: {  	_ =	shalt  }
0x58: {  	_ =	shalt  }
0x59: {  	_ =	shalt  }
0x5a: {  	_ =	shalt  }
0x5b: {  	_ =	shalt  }
0x5c: {  	_ =	shalt  }
0x5d: {  	_ =	shalt  }
0x5e: {  	_ =	shalt  }
0x5f: {  	_ =	shalt  }
0x60: {  	_ =	shalt  }
0x61: {  	_ =	shalt  }
0x62: {  	_ =	shalt  }
0x63: {  	_ =	shalt  }
0x64: {  	_ =	shalt  }
0x65: {  	_ =	shalt  }
0x66: {  	_ =	shalt  }
0x67: {  	_ =	shalt  }
0x68: {  	_ =	shalt  }
0x69: {  	_ =	shalt  }
0x6a: {  	_ =	shalt  }
0x6b: {  	_ =	shalt  }
0x6c: {  	_ =	shalt  }
0x6d: {  	_ =	shalt  }
0x6e: {  	_ =	shalt  }
0x6f: {  	_ =	shalt  }
0x70: {  	_ =	shalt  }
0x71: {  	_ =	shalt  }
0x72: {  	_ =	shalt  }
0x73: {  	_ =	shalt  }
0x74: {  	_ =	shalt  }
0x75: {  	_ =	shalt  }
0x76: {  	_ =	shalt  }
0x77: {  	_ =	shalt  }
0x78: {  	_ =	shalt  }
0x79: {  	_ =	shalt  }
0x7a: {  	_ =	shalt  }
0x7b: {  	_ =	shalt  }
0x7c: {  	_ =	shalt  }
0x7d: {  	_ =	shalt  }
0x7e: {  	_ =	shalt  }
0x7f: {  	_ =	shalt  }
0x80: {  	_ =	shalt  }
0x81: {  	_ =	shalt  }
0x82: {  	_ =	shalt  }
0x83: {  	_ =	shalt  }
0x84: {  	_ =	shalt  }
0x85: {  	_ =	shalt  }
0x86: {  	_ =	shalt  }
0x87: {  	_ =	shalt  }
.Lfunc_end0:
.L_simem_size_0:
called_computation_lowered:
.L_overlay_start_0:
0x88: {  	s2 =	sld [smem:$0x3FD9]  }
0x89: {  	s3 =	sld [smem:$0x3FFE];
	_ =	sdelay $0x1  }
0x8a: {  	s1 =	srdreg.scid  }
0x8b: {  	s0 =	sand.u32 $0x1, s1  }
0x8c: {  	s17 =	sshll.u32 s0, $0xA;
	s2 =	sadd.s32 s3, s2  }
0x8d: {  	s2 =	sadd.s32 s2, s17  }
0x8e: {  	[smem:$0x3FC4] =	sst s2  }
0x8f: {  	_ = 	snop  }
0x90: {  	s2 =	sld [smem:$0x3FC8];
	(tm) =	ssettm $0x1  }
0x91: {  	s18 =	sld [smem:$0x3FFB];
	_ =	sdelay $0x3  }
0x92: {  	_ =	strace s18  }
0x93: {  	s3 =	sld [smem:$0x3FFC];
	_ =	sdelay $0x3  }
0x94: {  	_ =	strace s3  }
0x95: {  	s3 =	sld [smem:$0x3FFD];
	_ =	sdelay $0x3  }
0x96: {  	_ =	strace s3  }
0x97: {  	_ =	strace $0x8FFFFFFF  }
0x98: {  	s19 =	sld [smem:$0x3FDB];
	_ =	sdelay $0x1  }
0x99: {  	s4 =	simm.s32 $_scs_section_size  }
0x9a: {  	s5 =	simm.s32 $_size__tile_overlayer_lowered;
	s6 =	simm.s32 $_tile_overlayer_lowered  }
0x9b: {  	s22 =	simm.s32 $0x1BFF;
	s21 =	sshll.u32 s6, $0x1;
	s3 =	sadd.s32 s4, s19  }
0x9c: {  	s7 =	simm.s32 $0x0;
	s20 =	sshll.u32 s5, $0x1;
	s5 =	sadd.s32 s21, s3  }
0x9d: {  	[timem:s7], [sflag:s22] =	dma.local [hbm:s5], s20  }
0x9e: {  	_ =	swait.ge [sflag:s22], s20  }
0x9f: {  	s4 =	ssub.s32 $0x0, s20;
	[sflag:s22] =	ssyncset.done $0x0  }
0xa0: {  	[sflag:s22] =	ssyncadd.s32 s4;
	_ =	sdelay $0x1  }
0xa1: {  	s23 =	simm.s32 $0x1B8B  }
0xa2: {  	_ =	swait.ge [sflag:s23], $0x1  }
0xa3: {  	[sflag:s23] =	ssyncset.done $0x0  }
0xa4: {  	s25 =	simm.s32 $0x1B8E;
	s24 =	sld [smem:$0x3FFE];
	[sflag:s23] =	ssyncadd.s32 $0xFFFFFFFF  }
0xa5: {  	s26 =	simm.s32 $execute0_lowered;
	[smem:$0x3FD2] =	sst s25  }
0xa6: {  	s5 =	sshll.u32 s26, $0x1;
	_ =	strace $0x80000046;
	[dreg:$0x1] =	wrdreg $0xFFFFFFFF  }
0xa7: {  	s28 =	simm.s32 $_size_execute0_lowered;
	s3 =	sadd.s32 s3, s5;
	[dreg:$0x0] =	wrdreg $0x0  }
0xa8: {  	s5 =	sshll.u32 s28, $0x1;
	[dreg:$0x2] =	wrdreg s3  }
0xa9: {  	[dreg:$0x3] =	wrdreg s5  }
0xaa: {  	[dreg:$0x4] =	wrdreg $0xC0  }
0xab: {  	_ =	task [dreg:s7], $0x5FFFF  }
0xac: {  	[dreg:$0x1] =	wrdreg $0xFFFFFFFF  }
0xad: {  	[dreg:$0x0] =	wrdreg $0x60  }
0xae: {  	[dreg:$0x2] =	wrdreg s2  }
0xaf: {  	[dreg:$0x3] =	wrdreg s24  }
0xb0: {  	[dreg:$0x4] =	wrdreg $0x9  }
0xb1: {  	_ =	task.clear_ibuf [dreg:s7], $0x5FFFF;
	_ =	strace $0x90000046  }
0xb2: {  	s29 =	simm.s32 $0x9;
	_ =	strace $0x80000048  }
0xb3: {  	_ =	swait.ge [sflag:s29], $0x1  }
0xb4: {  	[sflag:s29] =	ssyncadd.s32 $0xFFFFFFFF  }
0xb5: {  	_ =	strace $0x90000048  }
0xb6: {  	_ =	sfence  }
0xb7: {  	s30 =	sld [smem:$0x0];
	_ =	sdelay $0x2  }
0xb8: {  	s31 =	sshll.u32 s1, $0xD;
	s1 =	sshrl.u32 s1, $0x2  }
0xb9: {  	s3 =	sand.u32 $0x4000, s31;
	s1 =	sadd.s32 s1, s30  }
0xba: {  	s0 =	sor.u32 s3, s0;
	s1 =	sshll.u32 s1, $0x11  }
0xbb: {  	s0 =	sor.u32 s1, s0  }
0xbc: {  	s0 =	sadd.s32 $0x8F2B, s0  }
0xbd: {  	[sflag:s0] =	ssyncadd.remote.s32 $0x1  }
0xbe: {  	_ =	sfence.sel $0xFFFF  }
0xbf: {  	[dreg:$0x0] =	wrdreg $0xFFFFFFFF;
	(pc) =	sbr.abs _section_cstart, $3  }
0xc0: {  	[dreg:$0x1] =	wrdreg $0xFFFFFFFF  }
0xc1: {  	_ =	task.clear_ibuf [dreg:s7], $0x2FFFF;
	_ =	strace $0x9FFFFFFF  }
0xc2: {  	(tm) =	ssettm $0x7FFFFFFF  }
0xc3: {  	_ =	shalt  }
tec
execute0_lowered:
.L_overlay_start_1:
0x0: {  	(tag) =	ssettag $0x1  }
0x1: {  	s0 =	srdreg.scid;
	s2 =	rddreg [dreg:$0x0]  }
0x2: {  	s1 =	stileid.u32;
	s4 =	rddreg [dreg:$0x1];
	s3 =	simm.s32 $0x0  }
0x3: {  	s7 =	simm.s32 $0x3;
	s28 =	simm.s32 $0x2180;
	s29 =	simm.s32 $0x2980  }
0x4: {  	s30 =	simm.s32 $0x3180;
	s31 =	simm.s32 $0x3980;
	s8 =	simm.s32 $0x4980  }
0x5: {  	s9 =	simm.s32 $0x5180;
	s0 =	sand.u32 $0x1, s0;
	s1 =	sshll.u32 s1, $0x1  }
0x6: {  	s10 =	simm.s32 $0x5980;
	s11 =	simm.s32 $0x6180;
	s1 =	sor.u32 s0, s1  }
0x7: {  	s12 =	simm.s32 $0x6980;
	s13 =	simm.s32 $0x7180;
	s1 =	smul.u32 $0x120, s1  }
0x8: {  	s14 =	simm.s32 $0x7980;
	s15 =	simm.s32 $0x8180;
	s16 =	simm.s32 $0x8980  }
0x9: {  	s17 =	simm.s32 $0x9980;
	s18 =	simm.s32 $0xA180;
	s1 =	sshrl.u32 s1, $0x3  }
0xa: {  	s19 =	simm.s32 $0xA980;
	[smem:$0x7FF] =	sst s3;
	s5 =	smul.u32 $0x300, s1  }
0xb: {  	_ =	strace $0x80000047;
	s0 =	ssub.s32 $0x2, s0;
	s1 =	sadd.s32 s1, s4  }
0xc: {  	s23 =	sshrl.u32 s0, $0x1;
	s1 =	sadd.s32 $0xE00, s1;
	s5 =	sadd.s32 s5, s4  }
0xd: {  	s0 =	ssub.s32 s0, s23;
	[dreg:$0x3] =	wrdreg s1;
	s20 =	sadd.s32 $0x1400, s5  }
0xe: {  	s23 =	simm.s32 $0x980;
	s21 =	sadd.s32 $0x2600, s5;
	[dreg:$0x4] =	wrdreg s20  }
0xf: {  	s6 =	smax.u32 s0, $0x1;
	s22 =	sadd.s32 $0x3800, s5;
	[dreg:$0x5] =	wrdreg s21  }
0x10: {  	s0 =	simm.s32 $0x9180;
	s24 =	sadd.s32 $0x4A00, s5;
	[dreg:$0x6] =	wrdreg s22  }
0x11: {  	s4 =	sadd.s32 $0x100, s2;
	s25 =	sadd.s32 $0x5C00, s5;
	[dreg:$0x7] =	wrdreg s24  }
0x12: {  	v2 =	vlaneseq.u32;
	s26 =	sadd.s32 $0x6E00, s5;
	s5 =	sadd.s32 $0x200, s2;
	[dreg:$0x8] =	wrdreg s25  }
0x13: {  	vm0 =	vmmov $0xffff;
	v1 =	vshrl.u32 v2, $0x3;
	[dreg:$0x9] =	wrdreg s26;
	s20 =	simm.s32 $0x1;
	s21 =	simm.s32 $0x2  }
0x14: {  	v0 =	vand.u32 $0x7, v2;
	v2 =	vor.u32 $0x8, v2;
	v1 =	vmul.u32 $0x8, v1;
	s26 =	simm.s32 $0x180;
	s24 =	simm.s32 $0x1180;
	s25 =	simm.s32 $0x1980  }
.LBB2_1:
0x15: {  	s22 =	rddreg [dreg:$0x3]  }
0x16: {  	[tilespmem:s3], [sflag:$0x3] =	stream.linear.gather [hbm4b:s22+s3], $0x120, $0x38;
	[tilespmem:$0x12180] =	vst v63  }
0x17: {  	_ =	swait.ge [sflag:s7], $0x120  }
0x18: {  	[sflag:s7] =	ssyncset.done $0x0  }
0x19: {  	[sflag:s7] =	ssyncadd.s32 $0xFFFFFEE0  }
0x1a: {  	v3 =	vld [tilespmem:$0x0];
	_ =	sdelay $0x4  }
0x1b: {  	v4 =	vshrl.u32 v3, $0x3  }
0x1c: {  	v4 =	vmul.u32 $0x30, v4  }
0x1d: {  	v3 =	vand.u32 $0x7, v3  }
0x1e: {  	v3 =	vor.u32 v3, v4  }
0x1f: {  	v4 =	vperm.xlane v3, v0;
	_ =	sdelay $0x1  }
0x20: {  	v4 =	vadd.s32 v1, v4;
	_ =	sdelay $0x3  }
0x21: {  	v3 =	vperm.xlane v3, v2  }
0x22: {  	[tilespmem:s26], [sflag:$0x1] =	stream.indirect_vreg.gather [hbm4b:s2+s3], $0x80, v4, vm0, $0xb8;
	[tilespmem:$0x12180] =	vst v63  }
0x23: {  	v3 =	vadd.s32 v1, v3  }
0x24: {  	[tilespmem:s23], [sflag:$0x1] =	stream.indirect_vreg.gather [hbm4b:s4+s3], $0x80, v4, vm0, $0xb8;
	[tilespmem:$0x12180] =	vst v63  }
0x25: {  	_ = 	snop  }
0x26: {  	[tilespmem:s24], [sflag:$0x1] =	stream.indirect_vreg.gather [hbm4b:s5+s3], $0x80, v4, vm0, $0xb8;
	[tilespmem:$0x12180] =	vst v63  }
0x27: {  	_ = 	snop  }
0x28: {  	[tilespmem:s25], [sflag:$0x1] =	stream.indirect_vreg.gather [hbm4b:s2+s3], $0x80, v3, vm0, $0xb8;
	[tilespmem:$0x12180] =	vst v63  }
0x29: {  	_ = 	snop  }
0x2a: {  	[tilespmem:s28], [sflag:$0x1] =	stream.indirect_vreg.gather [hbm4b:s4+s3], $0x80, v3, vm0, $0xb8;
	[tilespmem:$0x12180] =	vst v63  }
0x2b: {  	_ = 	snop  }
0x2c: {  	[tilespmem:s29], [sflag:$0x1] =	stream.indirect_vreg.gather [hbm4b:s5+s3], $0x80, v3, vm0, $0xb8;
	[tilespmem:$0x12180] =	vst v63  }
0x2d: {  	v3 =	vld [tilespmem:$0x10];
	_ =	sdelay $0x4  }
0x2e: {  	v47 =	vshrl.u32 v3, $0x3  }
0x2f: {  	v4 =	vmul.u32 $0x30, v47  }
0x30: {  	v3 =	vand.u32 $0x7, v3  }
0x31: {  	v3 =	vor.u32 v3, v4  }
0x32: {  	v4 =	vperm.xlane v3, v0;
	_ =	sdelay $0x1  }
0x33: {  	v4 =	vadd.s32 v1, v4;
	_ =	sdelay $0x3  }
0x34: {  	v3 =	vperm.xlane v3, v2  }
0x35: {  	[tilespmem:s30], [sflag:$0x1] =	stream.indirect_vreg.gather [hbm4b:s2+s3], $0x80, v4, vm0, $0xb8;
	[tilespmem:$0x12180] =	vst v63  }
0x36: {  	v3 =	vadd.s32 v1, v3  }
0x37: {  	[tilespmem:s31], [sflag:$0x1] =	stream.indirect_vreg.gather [hbm4b:s4+s3], $0x80, v4, vm0, $0xb8;
	[tilespmem:$0x12180] =	vst v63  }
0x38: {  	s1 =	simm.s32 $0x4180  }
0x39: {  	[tilespmem:s1], [sflag:$0x1] =	stream.indirect_vreg.gather [hbm4b:s5+s3], $0x80, v4, vm0, $0xb8;
	[tilespmem:$0x12180] =	vst v63  }
0x3a: {  	_ = 	snop  }
0x3b: {  	[tilespmem:s8], [sflag:$0x1] =	stream.indirect_vreg.gather [hbm4b:s2+s3], $0x80, v3, vm0, $0xb8;
	[tilespmem:$0x12180] =	vst v63  }
0x3c: {  	_ = 	snop  }
0x3d: {  	[tilespmem:s9], [sflag:$0x1] =	stream.indirect_vreg.gather [hbm4b:s4+s3], $0x80, v3, vm0, $0xb8;
	[tilespmem:$0x12180] =	vst v63  }
0x3e: {  	_ = 	snop  }
0x3f: {  	[tilespmem:s10], [sflag:$0x1] =	stream.indirect_vreg.gather [hbm4b:s5+s3], $0x80, v3, vm0, $0xb8;
	[tilespmem:$0x12180] =	vst v63  }
0x40: {  	v3 =	vld [tilespmem:$0x20];
	_ =	sdelay $0x4  }
0x41: {  	v48 =	vshrl.u32 v3, $0x3  }
0x42: {  	v4 =	vmul.u32 $0x30, v48  }
0x43: {  	v3 =	vand.u32 $0x7, v3  }
0x44: {  	v3 =	vor.u32 v3, v4  }
0x45: {  	v4 =	vperm.xlane v3, v0;
	_ =	sdelay $0x1  }
0x46: {  	v4 =	vadd.s32 v1, v4;
	_ =	sdelay $0x3  }
0x47: {  	v3 =	vperm.xlane v3, v2  }
0x48: {  	[tilespmem:s11], [sflag:$0x1] =	stream.indirect_vreg.gather [hbm4b:s2+s3], $0x80, v4, vm0, $0xb8;
	[tilespmem:$0x12180] =	vst v63  }
0x49: {  	v3 =	vadd.s32 v1, v3  }
0x4a: {  	[tilespmem:s12], [sflag:$0x1] =	stream.indirect_vreg.gather [hbm4b:s4+s3], $0x80, v4, vm0, $0xb8;
	[tilespmem:$0x12180] =	vst v63  }
0x4b: {  	_ = 	snop  }
0x4c: {  	[tilespmem:s13], [sflag:$0x1] =	stream.indirect_vreg.gather [hbm4b:s5+s3], $0x80, v4, vm0, $0xb8;
	[tilespmem:$0x12180] =	vst v63  }
0x4d: {  	_ = 	snop  }
0x4e: {  	[tilespmem:s14], [sflag:$0x1] =	stream.indirect_vreg.gather [hbm4b:s2+s3], $0x80, v3, vm0, $0xb8;
	[tilespmem:$0x12180] =	vst v63  }
0x4f: {  	_ = 	snop  }
0x50: {  	[tilespmem:s15], [sflag:$0x1] =	stream.indirect_vreg.gather [hbm4b:s4+s3], $0x80, v3, vm0, $0xb8;
	[tilespmem:$0x12180] =	vst v63  }
0x51: {  	_ = 	snop  }
0x52: {  	[tilespmem:s16], [sflag:$0x1] =	stream.indirect_vreg.gather [hbm4b:s5+s3], $0x80, v3, vm0, $0xb8;
	[tilespmem:$0x12180] =	vst v63  }
0x53: {  	v3 =	vld [tilespmem:$0x30];
	_ =	sdelay $0x4  }
0x54: {  	v49 =	vshrl.u32 v3, $0x3  }
0x55: {  	v4 =	vmul.u32 $0x30, v49  }
0x56: {  	v3 =	vand.u32 $0x7, v3  }
0x57: {  	v3 =	vor.u32 v3, v4  }
0x58: {  	v4 =	vperm.xlane v3, v0;
	_ =	sdelay $0x1  }
0x59: {  	v4 =	vadd.s32 v1, v4;
	_ =	sdelay $0x3  }
0x5a: {  	v3 =	vperm.xlane v3, v2  }
0x5b: {  	[tilespmem:s0], [sflag:$0x2] =	stream.indirect_vreg.gather [hbm4b:s2+s3], $0x80, v4, vm0, $0xb8;
	[tilespmem:$0x12180] =	vst v63  }
0x5c: {  	v3 =	vadd.s32 v1, v3  }
0x5d: {  	[tilespmem:s17], [sflag:$0x2] =	stream.indirect_vreg.gather [hbm4b:s4+s3], $0x80, v4, vm0, $0xb8;
	[tilespmem:$0x12180] =	vst v63  }
0x5e: {  	_ = 	snop  }
0x5f: {  	[tilespmem:s18], [sflag:$0x2] =	stream.indirect_vreg.gather [hbm4b:s5+s3], $0x80, v4, vm0, $0xb8;
	[tilespmem:$0x12180] =	vst v63  }
0x60: {  	_ = 	snop  }
0x61: {  	[tilespmem:s19], [sflag:$0x2] =	stream.indirect_vreg.gather [hbm4b:s2+s3], $0x80, v3, vm0, $0xb8;
	[tilespmem:$0x12180] =	vst v63  }
0x62: {  	s22 =	simm.s32 $0xB180  }
0x63: {  	[tilespmem:s22], [sflag:$0x2] =	stream.indirect_vreg.gather [hbm4b:s4+s3], $0x80, v3, vm0, $0xb8;
	[tilespmem:$0x12180] =	vst v63  }
0x64: {  	s22 =	simm.s32 $0xB980  }
0x65: {  	[tilespmem:s22], [sflag:$0x2] =	stream.indirect_vreg.gather [hbm4b:s5+s3], $0x80, v3, vm0, $0xb8;
	[tilespmem:$0x12180] =	vst v63  }
0x66: {  	v3 =	vld [tilespmem:$0x40];
	_ =	sdelay $0x4  }
0x67: {  	v50 =	vshrl.u32 v3, $0x3  }
0x68: {  	v4 =	vmul.u32 $0x30, v50  }
0x69: {  	v3 =	vand.u32 $0x7, v3  }
0x6a: {  	v3 =	vor.u32 v3, v4  }
0x6b: {  	v4 =	vperm.xlane v3, v0;
	_ =	sdelay $0x1  }
0x6c: {  	v4 =	vadd.s32 v1, v4;
	_ =	sdelay $0x3  }
0x6d: {  	s22 =	simm.s32 $0xC180;
	v3 =	vperm.xlane v3, v2  }
0x6e: {  	[tilespmem:s22], [sflag:$0x2] =	stream.indirect_vreg.gather [hbm4b:s2+s3], $0x80, v4, vm0, $0xb8;
	[tilespmem:$0x12180] =	vst v63  }
0x6f: {  	v3 =	vadd.s32 v1, v3;
	s22 =	simm.s32 $0xC980  }
0x70: {  	[tilespmem:s22], [sflag:$0x2] =	stream.indirect_vreg.gather [hbm4b:s4+s3], $0x80, v4, vm0, $0xb8;
	[tilespmem:$0x12180] =	vst v63  }
0x71: {  	s22 =	simm.s32 $0xD180  }
0x72: {  	[tilespmem:s22], [sflag:$0x2] =	stream.indirect_vreg.gather [hbm4b:s5+s3], $0x80, v4, vm0, $0xb8;
	[tilespmem:$0x12180] =	vst v63  }
0x73: {  	s22 =	simm.s32 $0xD980  }
0x74: {  	[tilespmem:s22], [sflag:$0x2] =	stream.indirect_vreg.gather [hbm4b:s2+s3], $0x80, v3, vm0, $0xb8;
	[tilespmem:$0x12180] =	vst v63  }
0x75: {  	s22 =	simm.s32 $0xE180  }
0x76: {  	[tilespmem:s22], [sflag:$0x2] =	stream.indirect_vreg.gather [hbm4b:s4+s3], $0x80, v3, vm0, $0xb8;
	[tilespmem:$0x12180] =	vst v63  }
0x77: {  	s22 =	simm.s32 $0xE980  }
0x78: {  	[tilespmem:s22], [sflag:$0x2] =	stream.indirect_vreg.gather [hbm4b:s5+s3], $0x80, v3, vm0, $0xb8;
	[tilespmem:$0x12180] =	vst v63  }
0x79: {  	v3 =	vld [tilespmem:$0x50];
	_ =	sdelay $0x4  }
0x7a: {  	v51 =	vshrl.u32 v3, $0x3  }
0x7b: {  	v4 =	vmul.u32 $0x30, v51  }
0x7c: {  	v3 =	vand.u32 $0x7, v3  }
0x7d: {  	v3 =	vor.u32 v3, v4  }
0x7e: {  	v4 =	vperm.xlane v3, v0;
	_ =	sdelay $0x1  }
0x7f: {  	v4 =	vadd.s32 v1, v4;
	_ =	sdelay $0x3  }
0x80: {  	s22 =	simm.s32 $0xF180;
	v3 =	vperm.xlane v3, v2  }
0x81: {  	[tilespmem:s22], [sflag:$0x2] =	stream.indirect_vreg.gather [hbm4b:s2+s3], $0x80, v4, vm0, $0xb8;
	[tilespmem:$0x12180] =	vst v63  }
0x82: {  	v3 =	vadd.s32 v1, v3;
	s22 =	simm.s32 $0xF980  }
0x83: {  	[tilespmem:s22], [sflag:$0x2] =	stream.indirect_vreg.gather [hbm4b:s4+s3], $0x80, v4, vm0, $0xb8;
	[tilespmem:$0x12180] =	vst v63  }
0x84: {  	s22 =	simm.s32 $0x10180  }
0x85: {  	[tilespmem:s22], [sflag:$0x2] =	stream.indirect_vreg.gather [hbm4b:s5+s3], $0x80, v4, vm0, $0xb8;
	[tilespmem:$0x12180] =	vst v63  }
0x86: {  	s22 =	simm.s32 $0x10980  }
0x87: {  	[tilespmem:s22], [sflag:$0x2] =	stream.indirect_vreg.gather [hbm4b:s2+s3], $0x80, v3, vm0, $0xb8;
	[tilespmem:$0x12180] =	vst v63  }
0x88: {  	s22 =	simm.s32 $0x11180  }
0x89: {  	[tilespmem:s22], [sflag:$0x2] =	stream.indirect_vreg.gather [hbm4b:s4+s3], $0x80, v3, vm0, $0xb8;
	[tilespmem:$0x12180] =	vst v63  }
0x8a: {  	s22 =	simm.s32 $0x11980  }
0x8b: {  	[tilespmem:s22], [sflag:$0x2] =	stream.indirect_vreg.gather [hbm4b:s5+s3], $0x80, v3, vm0, $0xb8;
	[tilespmem:$0x12180] =	vst v63  }
0x8c: {  	_ =	swait.ge [sflag:s20], $0x9000  }
0x8d: {  	[sflag:s20] =	ssyncset.done $0x0  }
0x8e: {  	s22 =	rddreg [dreg:$0x4];
	[sflag:s20] =	ssyncadd.s32 $0xFFFF7000  }
0x8f: {  	[hbm4b:s22+s3] =	stream.linear.scatter [tilespmem:s26], [sflag:$0x3], $0x9000, $0x38;
	[tilespmem:$0x12180] =	vst v63  }
0x90: {  	_ =	swait.ge [sflag:s7], $0x9000  }
0x91: {  	[sflag:s7] =	ssyncset.done $0x0  }
0x92: {  	[sflag:s7] =	ssyncadd.s32 $0xFFFF7000  }
0x93: {  	v3 =	vld [tilespmem:$0x60];
	_ =	sdelay $0x4  }
0x94: {  	v52 =	vshrl.u32 v3, $0x3  }
0x95: {  	v4 =	vmul.u32 $0x30, v52  }
0x96: {  	v3 =	vand.u32 $0x7, v3  }
0x97: {  	v3 =	vor.u32 v3, v4  }
0x98: {  	v4 =	vperm.xlane v3, v0;
	_ =	sdelay $0x1  }
0x99: {  	v4 =	vadd.s32 v1, v4;
	_ =	sdelay $0x3  }
0x9a: {  	v3 =	vperm.xlane v3, v2  }
0x9b: {  	[tilespmem:s26], [sflag:$0x1] =	stream.indirect_vreg.gather [hbm4b:s2+s3], $0x80, v4, vm0, $0xb8;
	[tilespmem:$0x12180] =	vst v63  }
0x9c: {  	v3 =	vadd.s32 v1, v3  }
0x9d: {  	[tilespmem:s23], [sflag:$0x1] =	stream.indirect_vreg.gather [hbm4b:s4+s3], $0x80, v4, vm0, $0xb8;
	[tilespmem:$0x12180] =	vst v63  }
0x9e: {  	_ = 	snop  }
0x9f: {  	[tilespmem:s24], [sflag:$0x1] =	stream.indirect_vreg.gather [hbm4b:s5+s3], $0x80, v4, vm0, $0xb8;
	[tilespmem:$0x12180] =	vst v63  }
0xa0: {  	_ = 	snop  }
0xa1: {  	[tilespmem:s25], [sflag:$0x1] =	stream.indirect_vreg.gather [hbm4b:s2+s3], $0x80, v3, vm0, $0xb8;
	[tilespmem:$0x12180] =	vst v63  }
0xa2: {  	_ = 	snop  }
0xa3: {  	[tilespmem:s28], [sflag:$0x1] =	stream.indirect_vreg.gather [hbm4b:s4+s3], $0x80, v3, vm0, $0xb8;
	[tilespmem:$0x12180] =	vst v63  }
0xa4: {  	_ = 	snop  }
0xa5: {  	[tilespmem:s29], [sflag:$0x1] =	stream.indirect_vreg.gather [hbm4b:s5+s3], $0x80, v3, vm0, $0xb8;
	[tilespmem:$0x12180] =	vst v63  }
0xa6: {  	v3 =	vld [tilespmem:$0x70];
	_ =	sdelay $0x4  }
0xa7: {  	v53 =	vshrl.u32 v3, $0x3  }
0xa8: {  	v4 =	vmul.u32 $0x30, v53  }
0xa9: {  	v3 =	vand.u32 $0x7, v3  }
0xaa: {  	v3 =	vor.u32 v3, v4  }
0xab: {  	v4 =	vperm.xlane v3, v0;
	_ =	sdelay $0x1  }
0xac: {  	v4 =	vadd.s32 v1, v4;
	_ =	sdelay $0x3  }
0xad: {  	v3 =	vperm.xlane v3, v2  }
0xae: {  	[tilespmem:s30], [sflag:$0x1] =	stream.indirect_vreg.gather [hbm4b:s2+s3], $0x80, v4, vm0, $0xb8;
	[tilespmem:$0x12180] =	vst v63  }
0xaf: {  	v3 =	vadd.s32 v1, v3  }
0xb0: {  	[tilespmem:s31], [sflag:$0x1] =	stream.indirect_vreg.gather [hbm4b:s4+s3], $0x80, v4, vm0, $0xb8;
	[tilespmem:$0x12180] =	vst v63  }
0xb1: {  	_ = 	snop  }
0xb2: {  	[tilespmem:s1], [sflag:$0x1] =	stream.indirect_vreg.gather [hbm4b:s5+s3], $0x80, v4, vm0, $0xb8;
	[tilespmem:$0x12180] =	vst v63  }
0xb3: {  	_ = 	snop  }
0xb4: {  	[tilespmem:s8], [sflag:$0x1] =	stream.indirect_vreg.gather [hbm4b:s2+s3], $0x80, v3, vm0, $0xb8;
	[tilespmem:$0x12180] =	vst v63  }
0xb5: {  	_ = 	snop  }
0xb6: {  	[tilespmem:s9], [sflag:$0x1] =	stream.indirect_vreg.gather [hbm4b:s4+s3], $0x80, v3, vm0, $0xb8;
	[tilespmem:$0x12180] =	vst v63  }
0xb7: {  	_ = 	snop  }
0xb8: {  	[tilespmem:s10], [sflag:$0x1] =	stream.indirect_vreg.gather [hbm4b:s5+s3], $0x80, v3, vm0, $0xb8;
	[tilespmem:$0x12180] =	vst v63  }
0xb9: {  	v3 =	vld [tilespmem:$0x80];
	_ =	sdelay $0x4  }
0xba: {  	v54 =	vshrl.u32 v3, $0x3  }
0xbb: {  	v4 =	vmul.u32 $0x30, v54  }
0xbc: {  	v3 =	vand.u32 $0x7, v3  }
0xbd: {  	v3 =	vor.u32 v3, v4  }
0xbe: {  	v4 =	vperm.xlane v3, v0;
	_ =	sdelay $0x1  }
0xbf: {  	v4 =	vadd.s32 v1, v4;
	_ =	sdelay $0x3  }
0xc0: {  	v3 =	vperm.xlane v3, v2  }
0xc1: {  	[tilespmem:s11], [sflag:$0x1] =	stream.indirect_vreg.gather [hbm4b:s2+s3], $0x80, v4, vm0, $0xb8;
	[tilespmem:$0x12180] =	vst v63  }
0xc2: {  	v3 =	vadd.s32 v1, v3  }
0xc3: {  	[tilespmem:s12], [sflag:$0x1] =	stream.indirect_vreg.gather [hbm4b:s4+s3], $0x80, v4, vm0, $0xb8;
	[tilespmem:$0x12180] =	vst v63  }
0xc4: {  	_ = 	snop  }
0xc5: {  	[tilespmem:s13], [sflag:$0x1] =	stream.indirect_vreg.gather [hbm4b:s5+s3], $0x80, v4, vm0, $0xb8;
	[tilespmem:$0x12180] =	vst v63  }
0xc6: {  	_ = 	snop  }
0xc7: {  	[tilespmem:s14], [sflag:$0x1] =	stream.indirect_vreg.gather [hbm4b:s2+s3], $0x80, v3, vm0, $0xb8;
	[tilespmem:$0x12180] =	vst v63  }
0xc8: {  	_ = 	snop  }
0xc9: {  	[tilespmem:s15], [sflag:$0x1] =	stream.indirect_vreg.gather [hbm4b:s4+s3], $0x80, v3, vm0, $0xb8;
	[tilespmem:$0x12180] =	vst v63  }
0xca: {  	_ = 	snop  }
0xcb: {  	[tilespmem:s16], [sflag:$0x1] =	stream.indirect_vreg.gather [hbm4b:s5+s3], $0x80, v3, vm0, $0xb8;
	[tilespmem:$0x12180] =	vst v63  }
0xcc: {  	_ =	swait.ge [sflag:s21], $0x9000  }
0xcd: {  	[sflag:s21] =	ssyncset.done $0x0  }
0xce: {  	s22 =	rddreg [dreg:$0x5];
	[sflag:s21] =	ssyncadd.s32 $0xFFFF7000  }
0xcf: {  	[hbm4b:s22+s3] =	stream.linear.scatter [tilespmem:s0], [sflag:$0x3], $0x9000, $0x38;
	[tilespmem:$0x12180] =	vst v63  }
0xd0: {  	_ =	swait.ge [sflag:s7], $0x9000  }
0xd1: {  	[sflag:s7] =	ssyncset.done $0x0  }
0xd2: {  	[sflag:s7] =	ssyncadd.s32 $0xFFFF7000  }
0xd3: {  	v3 =	vld [tilespmem:$0x90];
	_ =	sdelay $0x4  }
0xd4: {  	v55 =	vshrl.u32 v3, $0x3  }
0xd5: {  	v4 =	vmul.u32 $0x30, v55  }
0xd6: {  	v3 =	vand.u32 $0x7, v3  }
0xd7: {  	v3 =	vor.u32 v3, v4  }
0xd8: {  	v4 =	vperm.xlane v3, v0;
	_ =	sdelay $0x1  }
0xd9: {  	v4 =	vadd.s32 v1, v4;
	_ =	sdelay $0x3  }
0xda: {  	v3 =	vperm.xlane v3, v2  }
0xdb: {  	[tilespmem:s0], [sflag:$0x2] =	stream.indirect_vreg.gather [hbm4b:s2+s3], $0x80, v4, vm0, $0xb8;
	[tilespmem:$0x12180] =	vst v63  }
0xdc: {  	v3 =	vadd.s32 v1, v3  }
0xdd: {  	[tilespmem:s17], [sflag:$0x2] =	stream.indirect_vreg.gather [hbm4b:s4+s3], $0x80, v4, vm0, $0xb8;
	[tilespmem:$0x12180] =	vst v63  }
0xde: {  	_ = 	snop  }
0xdf: {  	[tilespmem:s18], [sflag:$0x2] =	stream.indirect_vreg.gather [hbm4b:s5+s3], $0x80, v4, vm0, $0xb8;
	[tilespmem:$0x12180] =	vst v63  }
0xe0: {  	_ = 	snop  }
0xe1: {  	[tilespmem:s19], [sflag:$0x2] =	stream.indirect_vreg.gather [hbm4b:s2+s3], $0x80, v3, vm0, $0xb8;
	[tilespmem:$0x12180] =	vst v63  }
0xe2: {  	s22 =	simm.s32 $0xB180  }
0xe3: {  	[tilespmem:s22], [sflag:$0x2] =	stream.indirect_vreg.gather [hbm4b:s4+s3], $0x80, v3, vm0, $0xb8;
	[tilespmem:$0x12180] =	vst v63  }
0xe4: {  	s22 =	simm.s32 $0xB980  }
0xe5: {  	[tilespmem:s22], [sflag:$0x2] =	stream.indirect_vreg.gather [hbm4b:s5+s3], $0x80, v3, vm0, $0xb8;
	[tilespmem:$0x12180] =	vst v63  }
0xe6: {  	v3 =	vld [tilespmem:$0xA0];
	_ =	sdelay $0x4  }
0xe7: {  	v56 =	vshrl.u32 v3, $0x3  }
0xe8: {  	v4 =	vmul.u32 $0x30, v56  }
0xe9: {  	v3 =	vand.u32 $0x7, v3  }
0xea: {  	v3 =	vor.u32 v3, v4  }
0xeb: {  	v4 =	vperm.xlane v3, v0;
	_ =	sdelay $0x1  }
0xec: {  	v4 =	vadd.s32 v1, v4;
	_ =	sdelay $0x3  }
0xed: {  	s22 =	simm.s32 $0xC180;
	v3 =	vperm.xlane v3, v2  }
0xee: {  	[tilespmem:s22], [sflag:$0x2] =	stream.indirect_vreg.gather [hbm4b:s2+s3], $0x80, v4, vm0, $0xb8;
	[tilespmem:$0x12180] =	vst v63  }
0xef: {  	v3 =	vadd.s32 v1, v3;
	s22 =	simm.s32 $0xC980  }
0xf0: {  	[tilespmem:s22], [sflag:$0x2] =	stream.indirect_vreg.gather [hbm4b:s4+s3], $0x80, v4, vm0, $0xb8;
	[tilespmem:$0x12180] =	vst v63  }
0xf1: {  	s22 =	simm.s32 $0xD180  }
0xf2: {  	[tilespmem:s22], [sflag:$0x2] =	stream.indirect_vreg.gather [hbm4b:s5+s3], $0x80, v4, vm0, $0xb8;
	[tilespmem:$0x12180] =	vst v63  }
0xf3: {  	s22 =	simm.s32 $0xD980  }
0xf4: {  	[tilespmem:s22], [sflag:$0x2] =	stream.indirect_vreg.gather [hbm4b:s2+s3], $0x80, v3, vm0, $0xb8;
	[tilespmem:$0x12180] =	vst v63  }
0xf5: {  	s22 =	simm.s32 $0xE180  }
0xf6: {  	[tilespmem:s22], [sflag:$0x2] =	stream.indirect_vreg.gather [hbm4b:s4+s3], $0x80, v3, vm0, $0xb8;
	[tilespmem:$0x12180] =	vst v63  }
0xf7: {  	s22 =	simm.s32 $0xE980  }
0xf8: {  	[tilespmem:s22], [sflag:$0x2] =	stream.indirect_vreg.gather [hbm4b:s5+s3], $0x80, v3, vm0, $0xb8;
	[tilespmem:$0x12180] =	vst v63  }
0xf9: {  	v3 =	vld [tilespmem:$0xB0];
	_ =	sdelay $0x4  }
0xfa: {  	v57 =	vshrl.u32 v3, $0x3  }
0xfb: {  	v4 =	vmul.u32 $0x30, v57  }
0xfc: {  	v3 =	vand.u32 $0x7, v3  }
0xfd: {  	v3 =	vor.u32 v3, v4  }
0xfe: {  	v4 =	vperm.xlane v3, v0;
	_ =	sdelay $0x1  }
0xff: {  	v4 =	vadd.s32 v1, v4;
	_ =	sdelay $0x3  }
0x100: {  	s22 =	simm.s32 $0xF180;
	v3 =	vperm.xlane v3, v2  }
0x101: {  	[tilespmem:s22], [sflag:$0x2] =	stream.indirect_vreg.gather [hbm4b:s2+s3], $0x80, v4, vm0, $0xb8;
	[tilespmem:$0x12180] =	vst v63  }
0x102: {  	v3 =	vadd.s32 v1, v3;
	s22 =	simm.s32 $0xF980  }
0x103: {  	[tilespmem:s22], [sflag:$0x2] =	stream.indirect_vreg.gather [hbm4b:s4+s3], $0x80, v4, vm0, $0xb8;
	[tilespmem:$0x12180] =	vst v63  }
0x104: {  	s22 =	simm.s32 $0x10180  }
0x105: {  	[tilespmem:s22], [sflag:$0x2] =	stream.indirect_vreg.gather [hbm4b:s5+s3], $0x80, v4, vm0, $0xb8;
	[tilespmem:$0x12180] =	vst v63  }
0x106: {  	s22 =	simm.s32 $0x10980  }
0x107: {  	[tilespmem:s22], [sflag:$0x2] =	stream.indirect_vreg.gather [hbm4b:s2+s3], $0x80, v3, vm0, $0xb8;
	[tilespmem:$0x12180] =	vst v63  }
0x108: {  	s22 =	simm.s32 $0x11180  }
0x109: {  	[tilespmem:s22], [sflag:$0x2] =	stream.indirect_vreg.gather [hbm4b:s4+s3], $0x80, v3, vm0, $0xb8;
	[tilespmem:$0x12180] =	vst v63  }
0x10a: {  	s22 =	simm.s32 $0x11980  }
0x10b: {  	[tilespmem:s22], [sflag:$0x2] =	stream.indirect_vreg.gather [hbm4b:s5+s3], $0x80, v3, vm0, $0xb8;
	[tilespmem:$0x12180] =	vst v63  }
0x10c: {  	_ =	swait.ge [sflag:s20], $0x9000  }
0x10d: {  	[sflag:s20] =	ssyncset.done $0x0  }
0x10e: {  	s22 =	rddreg [dreg:$0x6];
	[sflag:s20] =	ssyncadd.s32 $0xFFFF7000  }
0x10f: {  	[hbm4b:s22+s3] =	stream.linear.scatter [tilespmem:s26], [sflag:$0x3], $0x9000, $0x38;
	[tilespmem:$0x12180] =	vst v63  }
0x110: {  	_ =	swait.ge [sflag:s7], $0x9000  }
0x111: {  	[sflag:s7] =	ssyncset.done $0x0  }
0x112: {  	[sflag:s7] =	ssyncadd.s32 $0xFFFF7000  }
0x113: {  	v3 =	vld [tilespmem:$0xC0];
	_ =	sdelay $0x4  }
0x114: {  	v58 =	vshrl.u32 v3, $0x3  }
0x115: {  	v4 =	vmul.u32 $0x30, v58  }
0x116: {  	v3 =	vand.u32 $0x7, v3  }
0x117: {  	v3 =	vor.u32 v3, v4  }
0x118: {  	v4 =	vperm.xlane v3, v0;
	_ =	sdelay $0x1  }
0x119: {  	v4 =	vadd.s32 v1, v4;
	_ =	sdelay $0x3  }
0x11a: {  	v3 =	vperm.xlane v3, v2  }
0x11b: {  	[tilespmem:s26], [sflag:$0x1] =	stream.indirect_vreg.gather [hbm4b:s2+s3], $0x80, v4, vm0, $0xb8;
	[tilespmem:$0x12180] =	vst v63  }
0x11c: {  	v3 =	vadd.s32 v1, v3  }
0x11d: {  	[tilespmem:s23], [sflag:$0x1] =	stream.indirect_vreg.gather [hbm4b:s4+s3], $0x80, v4, vm0, $0xb8;
	[tilespmem:$0x12180] =	vst v63  }
0x11e: {  	_ = 	snop  }
0x11f: {  	[tilespmem:s24], [sflag:$0x1] =	stream.indirect_vreg.gather [hbm4b:s5+s3], $0x80, v4, vm0, $0xb8;
	[tilespmem:$0x12180] =	vst v63  }
0x120: {  	_ = 	snop  }
0x121: {  	[tilespmem:s25], [sflag:$0x1] =	stream.indirect_vreg.gather [hbm4b:s2+s3], $0x80, v3, vm0, $0xb8;
	[tilespmem:$0x12180] =	vst v63  }
0x122: {  	_ = 	snop  }
0x123: {  	[tilespmem:s28], [sflag:$0x1] =	stream.indirect_vreg.gather [hbm4b:s4+s3], $0x80, v3, vm0, $0xb8;
	[tilespmem:$0x12180] =	vst v63  }
0x124: {  	_ = 	snop  }
0x125: {  	[tilespmem:s29], [sflag:$0x1] =	stream.indirect_vreg.gather [hbm4b:s5+s3], $0x80, v3, vm0, $0xb8;
	[tilespmem:$0x12180] =	vst v63  }
0x126: {  	v3 =	vld [tilespmem:$0xD0];
	_ =	sdelay $0x4  }
0x127: {  	v59 =	vshrl.u32 v3, $0x3  }
0x128: {  	v4 =	vmul.u32 $0x30, v59  }
0x129: {  	v3 =	vand.u32 $0x7, v3  }
0x12a: {  	v3 =	vor.u32 v3, v4  }
0x12b: {  	v4 =	vperm.xlane v3, v0;
	_ =	sdelay $0x1  }
0x12c: {  	v4 =	vadd.s32 v1, v4;
	_ =	sdelay $0x3  }
0x12d: {  	v3 =	vperm.xlane v3, v2  }
0x12e: {  	[tilespmem:s30], [sflag:$0x1] =	stream.indirect_vreg.gather [hbm4b:s2+s3], $0x80, v4, vm0, $0xb8;
	[tilespmem:$0x12180] =	vst v63  }
0x12f: {  	v3 =	vadd.s32 v1, v3  }
0x130: {  	[tilespmem:s31], [sflag:$0x1] =	stream.indirect_vreg.gather [hbm4b:s4+s3], $0x80, v4, vm0, $0xb8;
	[tilespmem:$0x12180] =	vst v63  }
0x131: {  	_ = 	snop  }
0x132: {  	[tilespmem:s1], [sflag:$0x1] =	stream.indirect_vreg.gather [hbm4b:s5+s3], $0x80, v4, vm0, $0xb8;
	[tilespmem:$0x12180] =	vst v63  }
0x133: {  	_ = 	snop  }
0x134: {  	[tilespmem:s8], [sflag:$0x1] =	stream.indirect_vreg.gather [hbm4b:s2+s3], $0x80, v3, vm0, $0xb8;
	[tilespmem:$0x12180] =	vst v63  }
0x135: {  	_ = 	snop  }
0x136: {  	[tilespmem:s9], [sflag:$0x1] =	stream.indirect_vreg.gather [hbm4b:s4+s3], $0x80, v3, vm0, $0xb8;
	[tilespmem:$0x12180] =	vst v63  }
0x137: {  	_ = 	snop  }
0x138: {  	[tilespmem:s10], [sflag:$0x1] =	stream.indirect_vreg.gather [hbm4b:s5+s3], $0x80, v3, vm0, $0xb8;
	[tilespmem:$0x12180] =	vst v63  }
0x139: {  	v3 =	vld [tilespmem:$0xE0];
	_ =	sdelay $0x4  }
0x13a: {  	v60 =	vshrl.u32 v3, $0x3  }
0x13b: {  	v4 =	vmul.u32 $0x30, v60  }
0x13c: {  	v3 =	vand.u32 $0x7, v3  }
0x13d: {  	v3 =	vor.u32 v3, v4  }
0x13e: {  	v4 =	vperm.xlane v3, v0;
	_ =	sdelay $0x1  }
0x13f: {  	v4 =	vadd.s32 v1, v4;
	_ =	sdelay $0x3  }
0x140: {  	v3 =	vperm.xlane v3, v2  }
0x141: {  	[tilespmem:s11], [sflag:$0x1] =	stream.indirect_vreg.gather [hbm4b:s2+s3], $0x80, v4, vm0, $0xb8;
	[tilespmem:$0x12180] =	vst v63  }
0x142: {  	v3 =	vadd.s32 v1, v3  }
0x143: {  	[tilespmem:s12], [sflag:$0x1] =	stream.indirect_vreg.gather [hbm4b:s4+s3], $0x80, v4, vm0, $0xb8;
	[tilespmem:$0x12180] =	vst v63  }
0x144: {  	_ = 	snop  }
0x145: {  	[tilespmem:s13], [sflag:$0x1] =	stream.indirect_vreg.gather [hbm4b:s5+s3], $0x80, v4, vm0, $0xb8;
	[tilespmem:$0x12180] =	vst v63  }
0x146: {  	_ = 	snop  }
0x147: {  	[tilespmem:s14], [sflag:$0x1] =	stream.indirect_vreg.gather [hbm4b:s2+s3], $0x80, v3, vm0, $0xb8;
	[tilespmem:$0x12180] =	vst v63  }
0x148: {  	_ = 	snop  }
0x149: {  	[tilespmem:s15], [sflag:$0x1] =	stream.indirect_vreg.gather [hbm4b:s4+s3], $0x80, v3, vm0, $0xb8;
	[tilespmem:$0x12180] =	vst v63  }
0x14a: {  	_ = 	snop  }
0x14b: {  	[tilespmem:s16], [sflag:$0x1] =	stream.indirect_vreg.gather [hbm4b:s5+s3], $0x80, v3, vm0, $0xb8;
	[tilespmem:$0x12180] =	vst v63  }
0x14c: {  	_ =	swait.ge [sflag:s21], $0x9000  }
0x14d: {  	[sflag:s21] =	ssyncset.done $0x0  }
0x14e: {  	s1 =	rddreg [dreg:$0x7];
	[sflag:s21] =	ssyncadd.s32 $0xFFFF7000  }
0x14f: {  	[hbm4b:s1+s3] =	stream.linear.scatter [tilespmem:s0], [sflag:$0x3], $0x9000, $0x38;
	[tilespmem:$0x12180] =	vst v63  }
0x150: {  	_ =	swait.ge [sflag:s7], $0x9000  }
0x151: {  	[sflag:s7] =	ssyncset.done $0x0  }
0x152: {  	[sflag:s7] =	ssyncadd.s32 $0xFFFF7000  }
0x153: {  	v3 =	vld [tilespmem:$0xF0];
	_ =	sdelay $0x4  }
0x154: {  	v61 =	vshrl.u32 v3, $0x3  }
0x155: {  	v4 =	vmul.u32 $0x30, v61  }
0x156: {  	v3 =	vand.u32 $0x7, v3  }
0x157: {  	v3 =	vor.u32 v3, v4  }
0x158: {  	v4 =	vperm.xlane v3, v0;
	_ =	sdelay $0x1  }
0x159: {  	v4 =	vadd.s32 v1, v4;
	_ =	sdelay $0x3  }
0x15a: {  	v3 =	vperm.xlane v3, v2  }
0x15b: {  	[tilespmem:s0], [sflag:$0x2] =	stream.indirect_vreg.gather [hbm4b:s2+s3], $0x80, v4, vm0, $0xb8;
	[tilespmem:$0x12180] =	vst v63  }
0x15c: {  	v3 =	vadd.s32 v1, v3  }
0x15d: {  	[tilespmem:s17], [sflag:$0x2] =	stream.indirect_vreg.gather [hbm4b:s4+s3], $0x80, v4, vm0, $0xb8;
	[tilespmem:$0x12180] =	vst v63  }
0x15e: {  	_ = 	snop  }
0x15f: {  	[tilespmem:s18], [sflag:$0x2] =	stream.indirect_vreg.gather [hbm4b:s5+s3], $0x80, v4, vm0, $0xb8;
	[tilespmem:$0x12180] =	vst v63  }
0x160: {  	_ = 	snop  }
0x161: {  	[tilespmem:s19], [sflag:$0x2] =	stream.indirect_vreg.gather [hbm4b:s2+s3], $0x80, v3, vm0, $0xb8;
	[tilespmem:$0x12180] =	vst v63  }
0x162: {  	s22 =	simm.s32 $0xB180  }
0x163: {  	[tilespmem:s22], [sflag:$0x2] =	stream.indirect_vreg.gather [hbm4b:s4+s3], $0x80, v3, vm0, $0xb8;
	[tilespmem:$0x12180] =	vst v63  }
0x164: {  	s22 =	simm.s32 $0xB980  }
0x165: {  	[tilespmem:s22], [sflag:$0x2] =	stream.indirect_vreg.gather [hbm4b:s5+s3], $0x80, v3, vm0, $0xb8;
	[tilespmem:$0x12180] =	vst v63  }
0x166: {  	v3 =	vld [tilespmem:$0x100];
	_ =	sdelay $0x4  }
0x167: {  	v62 =	vshrl.u32 v3, $0x3  }
0x168: {  	v4 =	vmul.u32 $0x30, v62  }
0x169: {  	v3 =	vand.u32 $0x7, v3  }
0x16a: {  	v3 =	vor.u32 v3, v4  }
0x16b: {  	v4 =	vperm.xlane v3, v0;
	_ =	sdelay $0x1  }
0x16c: {  	v4 =	vadd.s32 v1, v4;
	_ =	sdelay $0x3  }
0x16d: {  	s22 =	simm.s32 $0xC180;
	v3 =	vperm.xlane v3, v2  }
0x16e: {  	[tilespmem:s22], [sflag:$0x2] =	stream.indirect_vreg.gather [hbm4b:s2+s3], $0x80, v4, vm0, $0xb8;
	[tilespmem:$0x12180] =	vst v63  }
0x16f: {  	v3 =	vadd.s32 v1, v3;
	s22 =	simm.s32 $0xC980  }
0x170: {  	[tilespmem:s22], [sflag:$0x2] =	stream.indirect_vreg.gather [hbm4b:s4+s3], $0x80, v4, vm0, $0xb8;
	[tilespmem:$0x12180] =	vst v63  }
0x171: {  	s22 =	simm.s32 $0xD180  }
0x172: {  	[tilespmem:s22], [sflag:$0x2] =	stream.indirect_vreg.gather [hbm4b:s5+s3], $0x80, v4, vm0, $0xb8;
	[tilespmem:$0x12180] =	vst v63  }
0x173: {  	s22 =	simm.s32 $0xD980  }
0x174: {  	[tilespmem:s22], [sflag:$0x2] =	stream.indirect_vreg.gather [hbm4b:s2+s3], $0x80, v3, vm0, $0xb8;
	[tilespmem:$0x12180] =	vst v63  }
0x175: {  	s22 =	simm.s32 $0xE180  }
0x176: {  	[tilespmem:s22], [sflag:$0x2] =	stream.indirect_vreg.gather [hbm4b:s4+s3], $0x80, v3, vm0, $0xb8;
	[tilespmem:$0x12180] =	vst v63  }
0x177: {  	s22 =	simm.s32 $0xE980  }
0x178: {  	[tilespmem:s22], [sflag:$0x2] =	stream.indirect_vreg.gather [hbm4b:s5+s3], $0x80, v3, vm0, $0xb8;
	[tilespmem:$0x12180] =	vst v63  }
0x179: {  	v3 =	vld [tilespmem:$0x110];
	_ =	sdelay $0x4  }
0x17a: {  	v63 =	vshrl.u32 v3, $0x3  }
0x17b: {  	v4 =	vmul.u32 $0x30, v63  }
0x17c: {  	v3 =	vand.u32 $0x7, v3  }
0x17d: {  	v3 =	vor.u32 v3, v4  }
0x17e: {  	v4 =	vperm.xlane v3, v0;
	_ =	sdelay $0x1  }
0x17f: {  	v4 =	vadd.s32 v1, v4;
	_ =	sdelay $0x3  }
0x180: {  	s22 =	simm.s32 $0xF180;
	v3 =	vperm.xlane v3, v2  }
0x181: {  	[tilespmem:s22], [sflag:$0x2] =	stream.indirect_vreg.gather [hbm4b:s2+s3], $0x80, v4, vm0, $0xb8;
	[tilespmem:$0x12180] =	vst v63  }
0x182: {  	v3 =	vadd.s32 v1, v3;
	s22 =	simm.s32 $0xF980  }
0x183: {  	[tilespmem:s22], [sflag:$0x2] =	stream.indirect_vreg.gather [hbm4b:s4+s3], $0x80, v4, vm0, $0xb8;
	[tilespmem:$0x12180] =	vst v63  }
0x184: {  	s22 =	simm.s32 $0x10180  }
0x185: {  	[tilespmem:s22], [sflag:$0x2] =	stream.indirect_vreg.gather [hbm4b:s5+s3], $0x80, v4, vm0, $0xb8;
	[tilespmem:$0x12180] =	vst v63  }
0x186: {  	s22 =	simm.s32 $0x10980  }
0x187: {  	[tilespmem:s22], [sflag:$0x2] =	stream.indirect_vreg.gather [hbm4b:s2+s3], $0x80, v3, vm0, $0xb8;
	[tilespmem:$0x12180] =	vst v63  }
0x188: {  	s22 =	simm.s32 $0x11180  }
0x189: {  	[tilespmem:s22], [sflag:$0x2] =	stream.indirect_vreg.gather [hbm4b:s4+s3], $0x80, v3, vm0, $0xb8;
	[tilespmem:$0x12180] =	vst v63  }
0x18a: {  	s22 =	simm.s32 $0x11980  }
0x18b: {  	[tilespmem:s22], [sflag:$0x2] =	stream.indirect_vreg.gather [hbm4b:s5+s3], $0x80, v3, vm0, $0xb8;
	[tilespmem:$0x12180] =	vst v63  }
0x18c: {  	_ =	swait.ge [sflag:s20], $0x9000  }
0x18d: {  	[sflag:s20] =	ssyncset.done $0x0  }
0x18e: {  	s1 =	rddreg [dreg:$0x8];
	[sflag:s20] =	ssyncadd.s32 $0xFFFF7000  }
0x18f: {  	[hbm4b:s1+s3] =	stream.linear.scatter [tilespmem:s26], [sflag:$0x3], $0x9000, $0x38;
	[tilespmem:$0x12180] =	vst v63  }
0x190: {  	_ =	swait.ge [sflag:s7], $0x9000  }
0x191: {  	[sflag:s7] =	ssyncset.done $0x0  }
0x192: {  	[sflag:s7] =	ssyncadd.s32 $0xFFFF7000  }
0x193: {  	_ =	swait.ge [sflag:s21], $0x9000  }
0x194: {  	p0 =	sne.s32 s6, $0x1;
	[sflag:s21] =	ssyncset.done $0x0  }
.Ltmp0:
0x195: {  	s1 =	rddreg [dreg:$0x9];
	[sflag:s21] =	ssyncadd.s32 $0xFFFF7000;
	(pc) =	sbr.rel @p0 .LBB2_1-.Ltmp0, $4  }
0x196: {  	[hbm4b:s1+s3] =	stream.linear.scatter [tilespmem:s0], [sflag:$0x3], $0x9000, $0x38;
	[tilespmem:$0x12180] =	vst v63  }
0x197: {  	_ =	swait.ge [sflag:s7], $0x9000  }
0x198: {  	[sflag:s7] =	ssyncset.done $0x0  }
0x199: {  	s6 =	sadd.s32 $0xFFFFFFFF, s6;
	[sflag:s7] =	ssyncadd.s32 $0xFFFF7000  }
0x19a: {  	_ =	sfence.sel $0x180000  }
0x19b: {  	[bflag:$0x0] =	sbarrier.arrive $0xFFFF  }
0x19c: {  	_ =	strace $0x90000047  }
0x19d: {  	s0 =	stileid.u32;
	[bflag:$0x2] =	sbarrier.arrive $0xFFFF  }
0x19e: {  	p0 =	sne.s32 s0, $0x0;
	s0 =	rddreg [dreg:$0x2]  }
0x19f: {  	s0 =	sadd.s32 @!p0 $0x100000, s0  }
0x1a0: {  	[sflag:s0] =	ssyncadd.tile.s32 @!p0 $0x1;
	_ =	shalt  }
.Lfunc_end2:
_tile_overlayer_lowered:
.L_overlay_start_2:
0x1a1: {  	(tag) =	ssettag $0x2  }
0x1a2: {  	s0 =	rddreg [dreg:$0x0];
	s2 =	stileid.u32  }
0x1a3: {  	s1 =	rddreg [dreg:$0x1];
	p0 =	sne.s32 s2, $0x0  }
0x1a4: {  	s3 =	rddreg [dreg:$0x2];
	[bflag:$0x3] =	sbarrier.arrive $0xFFFF;
	s2 =	simm.s32 @!p0 $0x1C03  }
0x1a5: {  	[timem:s3], [sflag:s2] =	dma.local @!p0 [hbm:s0], s1  }
0x1a6: {  	s0 =	simm.s32 @!p0 $0x3  }
0x1a7: {  	_ =	swait.ge @!p0 [sflag:s0], s1  }
0x1a8: {  	s1 =	ssub.s32 @!p0 $0x0, s1;
	[sflag:s0] =	ssyncset.done @!p0 $0x0  }
0x1a9: {  	[sflag:s0] =	ssyncadd.s32 @!p0 s1  }
0x1aa: {  	[bflag:$0x3] =	sbarrier.arrive $0xFFFF  }
0x1ab: {  	_ =	shalt  }

</sc_bundles>
